<compile_context>
chip_gen: v7x
topology: tpu7x:2x2x1
jax: 0.10.2.dev20260603
libtpu: 0.0.44.dev20260713+nightly
codegen_flags: <defaults>
</compile_context>

<pallas_src>
import functools

import jax
import jax.numpy as jnp
from jax import lax
from jax.experimental import pallas as pl
from jax.experimental.pallas import tpu as pltpu
from jax.experimental.pallas import tpu_sc as plsc

_NC = 2
_NS = 16


def _mm_body(at_ref, bt_ref, o_ref):
    o_ref[...] = lax.dot_general(
        at_ref[...], bt_ref[...],
        dimension_numbers=(((0,), (0,)), ((), ())),
        preferred_element_type=jnp.float32,
    )


def _project_table(At, Bt, block_cols):
    k, vocab = At.shape
    d = Bt.shape[1]
    grid = (vocab + block_cols - 1) // block_cols
    return pl.pallas_call(
        _mm_body,
        grid=(grid,),
        in_specs=[
            pl.BlockSpec((k, block_cols), lambda i: (0, i)),
            pl.BlockSpec((k, d), lambda i: (0, 0)),
        ],
        out_specs=pl.BlockSpec((block_cols, d), lambda i: (i, 0)),
        out_shape=jax.ShapeDtypeStruct((vocab, d), jnp.float32),
    )(At, Bt)


def _make_gather(n_idx, d, per_w, chunk, nbuf=3):
    n_chunks = per_w // chunk
    mesh = plsc.VectorSubcoreMesh(core_axis_name="c", subcore_axis_name="s")

    @functools.partial(
        pl.kernel,
        out_type=jax.ShapeDtypeStruct((n_idx, d), jnp.float32),
        mesh=mesh,
        scratch_types=[
            pltpu.VMEM((per_w,), jnp.int32),
        ] + [pltpu.VMEM((2, chunk // 2, d), jnp.float32) for _ in range(nbuf)]
          + [pltpu.SemaphoreType.DMA for _ in range(2 * nbuf)],
    )
    def gather(table_hbm, idx_hbm, out_hbm, idx_v, *bufs_sems):
        bufs = bufs_sems[:nbuf]
        gsems = bufs_sems[nbuf:2 * nbuf]
        wsems = bufs_sems[2 * nbuf:]
        wid = lax.axis_index("s") * _NC + lax.axis_index("c")
        base = wid * per_w
        half = chunk // 2
        pltpu.sync_copy(idx_hbm.at[pl.ds(base, per_w)], idx_v)

        def fire_gather(i, s):
            pltpu.async_copy(
                table_hbm.at[idx_v.at[pl.ds(i * chunk, half)]],
                bufs[s].at[0], gsems[s])
            pltpu.async_copy(
                table_hbm.at[idx_v.at[pl.ds(i * chunk + half, half)]],
                bufs[s].at[1], gsems[s])

        def wait_gather(i, s):
            pltpu.make_async_copy(
                table_hbm.at[idx_v.at[pl.ds(i * chunk, half)]],
                bufs[s].at[0], gsems[s]).wait()
            pltpu.make_async_copy(
                table_hbm.at[idx_v.at[pl.ds(i * chunk + half, half)]],
                bufs[s].at[1], gsems[s]).wait()

        def fire_write(i, s):
            pltpu.async_copy(
                bufs[s].at[0], out_hbm.at[pl.ds(base + i * chunk, half)],
                wsems[s])
            pltpu.async_copy(
                bufs[s].at[1],
                out_hbm.at[pl.ds(base + i * chunk + half, half)], wsems[s])

        def wait_write(i, s):
            pltpu.make_async_copy(
                bufs[s].at[0], out_hbm.at[pl.ds(base + i * chunk, half)],
                wsems[s]).wait()
            pltpu.make_async_copy(
                bufs[s].at[1],
                out_hbm.at[pl.ds(base + i * chunk + half, half)],
                wsems[s]).wait()

        ahead = nbuf - 1
        for j in range(ahead):
            fire_gather(j, j)

        def step(i, _):
            for s in range(nbuf):
                @pl.when(lax.rem(i, nbuf) == s)
                def _():
                    s2 = (s + ahead) % nbuf
                    @pl.when(i + ahead < n_chunks)
                    def _():
                        @pl.when(i >= 1)
                        def _():
                            wait_write(i - 1, s2)
                        fire_gather(i + ahead, s2)
                    wait_gather(i, s)
                    fire_write(i, s)
            return 0

        lax.fori_loop(0, n_chunks, step, 0)

        for j in range(max(0, n_chunks - nbuf), n_chunks):
            wait_write(j, j % nbuf)

    return gather


def kernel(token_ids, A, B):
    batch, hist = token_ids.shape
    vocab, k = A.shape
    d = B.shape[0]

    table = _project_table(A.T, B.T, block_cols=12800)

    n_idx = batch * hist
    idx_hm = token_ids.T.reshape(n_idx).astype(jnp.int32)

    per_w = n_idx // (_NC * _NS)
    gather = _make_gather(n_idx, d, per_w, chunk=320, nbuf=3)
    low = gather(table, idx_hm)

    return low.reshape(hist, batch, d).transpose(1, 0, 2)

# --- scband reference (transcript-rebuilt; emitter-appended) ---
"""Pipeline reference for scband-factorized-embedding-61177514164242 (READ-ONLY COPY).

The authoritative reference and input builder live on the scoring server;
editing this copy changes nothing except your own understanding.
"""

import jax, jax.numpy as jnp
import numpy as np

VOCAB = 100000
EMBED_DIM = 128
K = 64
BATCH = 4096
HIST = 50


def setup_inputs(seed: int = 0) -> dict:
    key = jax.random.key(seed)
    k1, k2, k3 = jax.random.split(key, 3)
    token_ids = jax.random.randint(k1, (BATCH, HIST), 0, VOCAB, dtype=jnp.int64 if jax.config.jax_enable_x64 else jnp.int32)
    # A: (vocab, K), init normal std 0.02
    A = jax.random.normal(k2, (VOCAB, K), dtype=jnp.float32) * 0.02
    # B weight (torch Linear(K, embed_dim, bias=False)): shape (embed_dim, K), xavier uniform
    limit = float(np.sqrt(6.0 / (K + EMBED_DIM)))
    B = jax.random.uniform(k3, (EMBED_DIM, K), dtype=jnp.float32, minval=-limit, maxval=limit)
    return {"token_ids": token_ids, "A": A, "B": B}


def reference(token_ids, A, B):
    # low_dim = A[token_ids]  (gather / embedding lookup)
    low_dim = jnp.take(A, token_ids, axis=0)            # [BATCH, HIST, K]
    # full_dim = Linear(K->D, no bias): low_dim @ B.T
    full_dim = jnp.matmul(low_dim, B.T)                  # [BATCH, HIST, EMBED_DIM]
    return full_dim

if __name__ == "__main__":
    import jax
    _d = setup_inputs()
    print(jax.jit(kernel)(*tuple(_d.values())))

</pallas_src>

<mosaic_0001>
#map = affine_map<(d0, d1) -> (0, 0)>
#map1 = affine_map<(d0, d1) -> (0)>
module attributes {stable_mosaic.version = 14 : i64} {
  func.func @gather(%arg0: i32, %arg1: i32, %arg2: memref<100000x128xf32, #tpu.memory_space<hbm>>, %arg3: memref<204800xi32, #tpu.memory_space<hbm>>, %arg4: memref<204800x128xf32, #tpu.memory_space<hbm>>, %arg5: memref<6400xi32, #tpu.memory_space<vmem>>, %arg6: memref<2x160x128xf32, #tpu.memory_space<vmem>>, %arg7: memref<2x160x128xf32, #tpu.memory_space<vmem>>, %arg8: memref<2x160x128xf32, #tpu.memory_space<vmem>>, %arg9: memref<!tpu.dma_semaphore, #tpu.memory_space<semaphore_mem>>, %arg10: memref<!tpu.dma_semaphore, #tpu.memory_space<semaphore_mem>>, %arg11: memref<!tpu.dma_semaphore, #tpu.memory_space<semaphore_mem>>, %arg12: memref<!tpu.dma_semaphore, #tpu.memory_space<semaphore_mem>>, %arg13: memref<!tpu.dma_semaphore, #tpu.memory_space<semaphore_mem>>, %arg14: memref<!tpu.dma_semaphore, #tpu.memory_space<semaphore_mem>>) attributes {dimension_semantics = [#tpu.dimension_semantics<core_parallel>, #tpu.dimension_semantics<subcore_parallel>], iteration_bounds = array<i64: 2, 16>, scalar_prefetch = 0 : i64, scratch_operands = 10 : i64, tpu.core_type = #tpu.core_type<sc_vector_subcore>, window_params = [{transform_indices = #map}, {transform_indices = #map1}, {transform_indices = #map}]} {
    %mul3A = arith.constant 2 : i32
    %mul3A_0 = arith.muli %arg1, %mul3A : i32
    %add3A = arith.addi %mul3A_0, %arg0 : i32
    %mul3A_1 = arith.constant 6400 : i32
    %mul3A_2 = arith.muli %add3A, %mul3A_1 : i32
    "tpu.region"() ({
      %run_scoped3A = tpu.sem_alloc : memref<!tpu.dma_semaphore, #tpu.memory_space<semaphore_mem>>
      %dma_start3A_143 = tpu.memref_slice %arg3[%mul3A_2] : memref<204800xi32, #tpu.memory_space<hbm>> -> memref<6400xi32, #tpu.memory_space<hbm>>
      %dma_start3A_144 = tpu.memref_slice %arg3[%mul3A_2] : memref<204800xi32, #tpu.memory_space<hbm>> -> memref<6400xi32, #tpu.memory_space<hbm>>
      tpu.enqueue_dma source(%dma_start3A_144 : memref<6400xi32, #tpu.memory_space<hbm>>) target(%arg5 : memref<6400xi32, #tpu.memory_space<vmem>>) target_semaphore(%run_scoped3A : memref<!tpu.dma_semaphore, #tpu.memory_space<semaphore_mem>>)
      %dma_wait3A_145 = tpu.memref_slice %arg3[%mul3A_2] : memref<204800xi32, #tpu.memory_space<hbm>> -> memref<6400xi32, #tpu.memory_space<hbm>>
      %dma_wait3A_146 = tpu.memref_slice %arg3[%mul3A_2] : memref<204800xi32, #tpu.memory_space<hbm>> -> memref<6400xi32, #tpu.memory_space<hbm>>
      tpu.wait_dma2 semaphore(%run_scoped3A : memref<!tpu.dma_semaphore, #tpu.memory_space<semaphore_mem>>) src(%dma_wait3A_146 : memref<6400xi32, #tpu.memory_space<hbm>>) dst(%arg5 : memref<6400xi32, #tpu.memory_space<vmem>>)
      tpu.yield
    }) : () -> ()
    %dma_start3A = arith.constant 0 : i32
    %dma_start3A_3 = arith.constant 0 : i32
    %dma_start3A_4 = arith.constant 0 : i32
    %dma_start3A_5 = tpu.memref_slice %arg6[%dma_start3A, %dma_start3A_3, %dma_start3A_4] : memref<2x160x128xf32, #tpu.memory_space<vmem>> -> memref<1x160x128xf32, #tpu.memory_space<vmem>>
    %dma_start3A_6 = tpu.memref_squeeze %dma_start3A_5 : memref<1x160x128xf32, #tpu.memory_space<vmem>> -> memref<160x128xf32, #tpu.memory_space<vmem>>
    %dma_start3A_7 = arith.constant 0 : i32
    %dma_start3A_8 = tpu.memref_slice %arg5[%dma_start3A_7] : memref<6400xi32, #tpu.memory_space<vmem>> -> memref<160xi32, #tpu.memory_space<vmem>>
    %dma_start3A_9 = arith.constant 0 : i32
    %dma_start3A_10 = arith.constant 0 : i32
    %dma_start3A_11 = tpu.memref_slice %arg2[%dma_start3A_9, %dma_start3A_10] : memref<100000x128xf32, #tpu.memory_space<hbm>> -> memref<100000x128xf32, #tpu.memory_space<hbm>>
    tpu.enqueue_indirect_dma source(%dma_start3A_11 : memref<100000x128xf32, #tpu.memory_space<hbm>>) target(%dma_start3A_6 : memref<160x128xf32, #tpu.memory_space<vmem>>) offsets(%dma_start3A_8 : memref<160xi32, #tpu.memory_space<vmem>>) semaphore(%arg9 : memref<!tpu.dma_semaphore, #tpu.memory_space<semaphore_mem>>)
    %dma_start3A_12 = arith.constant 1 : i32
    %dma_start3A_13 = arith.constant 0 : i32
    %dma_start3A_14 = arith.constant 0 : i32
    %dma_start3A_15 = tpu.memref_slice %arg6[%dma_start3A_12, %dma_start3A_13, %dma_start3A_14] : memref<2x160x128xf32, #tpu.memory_space<vmem>> -> memref<1x160x128xf32, #tpu.memory_space<vmem>>
    %dma_start3A_16 = tpu.memref_squeeze %dma_start3A_15 : memref<1x160x128xf32, #tpu.memory_space<vmem>> -> memref<160x128xf32, #tpu.memory_space<vmem>>
    %dma_start3A_17 = arith.constant 160 : i32
    %dma_start3A_18 = tpu.memref_slice %arg5[%dma_start3A_17] : memref<6400xi32, #tpu.memory_space<vmem>> -> memref<160xi32, #tpu.memory_space<vmem>>
    %dma_start3A_19 = arith.constant 0 : i32
    %dma_start3A_20 = arith.constant 0 : i32
    %dma_start3A_21 = tpu.memref_slice %arg2[%dma_start3A_19, %dma_start3A_20] : memref<100000x128xf32, #tpu.memory_space<hbm>> -> memref<100000x128xf32, #tpu.memory_space<hbm>>
    tpu.enqueue_indirect_dma source(%dma_start3A_21 : memref<100000x128xf32, #tpu.memory_space<hbm>>) target(%dma_start3A_16 : memref<160x128xf32, #tpu.memory_space<vmem>>) offsets(%dma_start3A_18 : memref<160xi32, #tpu.memory_space<vmem>>) semaphore(%arg9 : memref<!tpu.dma_semaphore, #tpu.memory_space<semaphore_mem>>)
    %dma_start3A_22 = arith.constant 0 : i32
    %dma_start3A_23 = arith.constant 0 : i32
    %dma_start3A_24 = arith.constant 0 : i32
    %dma_start3A_25 = tpu.memref_slice %arg7[%dma_start3A_22, %dma_start3A_23, %dma_start3A_24] : memref<2x160x128xf32, #tpu.memory_space<vmem>> -> memref<1x160x128xf32, #tpu.memory_space<vmem>>
    %dma_start3A_26 = tpu.memref_squeeze %dma_start3A_25 : memref<1x160x128xf32, #tpu.memory_space<vmem>> -> memref<160x128xf32, #tpu.memory_space<vmem>>
    %dma_start3A_27 = arith.constant 320 : i32
    %dma_start3A_28 = tpu.memref_slice %arg5[%dma_start3A_27] : memref<6400xi32, #tpu.memory_space<vmem>> -> memref<160xi32, #tpu.memory_space<vmem>>
    %dma_start3A_29 = arith.constant 0 : i32
    %dma_start3A_30 = arith.constant 0 : i32
    %dma_start3A_31 = tpu.memref_slice %arg2[%dma_start3A_29, %dma_start3A_30] : memref<100000x128xf32, #tpu.memory_space<hbm>> -> memref<100000x128xf32, #tpu.memory_space<hbm>>
    tpu.enqueue_indirect_dma source(%dma_start3A_31 : memref<100000x128xf32, #tpu.memory_space<hbm>>) target(%dma_start3A_26 : memref<160x128xf32, #tpu.memory_space<vmem>>) offsets(%dma_start3A_28 : memref<160xi32, #tpu.memory_space<vmem>>) semaphore(%arg10 : memref<!tpu.dma_semaphore, #tpu.memory_space<semaphore_mem>>)
    %dma_start3A_32 = arith.constant 1 : i32
    %dma_start3A_33 = arith.constant 0 : i32
    %dma_start3A_34 = arith.constant 0 : i32
    %dma_start3A_35 = tpu.memref_slice %arg7[%dma_start3A_32, %dma_start3A_33, %dma_start3A_34] : memref<2x160x128xf32, #tpu.memory_space<vmem>> -> memref<1x160x128xf32, #tpu.memory_space<vmem>>
    %dma_start3A_36 = tpu.memref_squeeze %dma_start3A_35 : memref<1x160x128xf32, #tpu.memory_space<vmem>> -> memref<160x128xf32, #tpu.memory_space<vmem>>
    %dma_start3A_37 = arith.constant 480 : i32
    %dma_start3A_38 = tpu.memref_slice %arg5[%dma_start3A_37] : memref<6400xi32, #tpu.memory_space<vmem>> -> memref<160xi32, #tpu.memory_space<vmem>>
    %dma_start3A_39 = arith.constant 0 : i32
    %dma_start3A_40 = arith.constant 0 : i32
    %dma_start3A_41 = tpu.memref_slice %arg2[%dma_start3A_39, %dma_start3A_40] : memref<100000x128xf32, #tpu.memory_space<hbm>> -> memref<100000x128xf32, #tpu.memory_space<hbm>>
    tpu.enqueue_indirect_dma source(%dma_start3A_41 : memref<100000x128xf32, #tpu.memory_space<hbm>>) target(%dma_start3A_36 : memref<160x128xf32, #tpu.memory_space<vmem>>) offsets(%dma_start3A_38 : memref<160xi32, #tpu.memory_space<vmem>>) semaphore(%arg10 : memref<!tpu.dma_semaphore, #tpu.memory_space<semaphore_mem>>)
    %scan3A = arith.constant 0 : i32
    %scan3A_42 = arith.constant 0 : i32
    %scan3A_43 = arith.constant 20 : i32
    %scan3A_44 = arith.addi %scan3A_42, %scan3A_43 : i32
    %scan3A_45 = arith.constant 1 : i32
    %scan3A_46 = scf.for %scan3A_143 = %scan3A_42 to %scan3A_44 step %scan3A_45 iter_args(%scan3A_144 = %scan3A) -> (i32)  : i32 {
      %rem3A = arith.constant 3 : i32
      %rem3A_145 = arith.remsi %scan3A_143, %rem3A : i32
      %eq3A = arith.constant 0 : i32
      %eq3A_146 = arith.cmpi eq, %rem3A_145, %eq3A : i32
      %convert_element_type3A = arith.extui %eq3A_146 : i1 to i32
      %cond3A = arith.constant 0 : i32
      %cond3A_147 = arith.cmpi ne, %convert_element_type3A, %cond3A : i32
      scf.if %cond3A_147 {
        %add3A_163 = arith.constant 2 : i32
        %add3A_164 = arith.addi %scan3A_143, %add3A_163 : i32
        %lt3A = arith.constant 20 : i32
        %lt3A_165 = arith.cmpi slt, %add3A_164, %lt3A : i32
        %convert_element_type3A_166 = arith.extui %lt3A_165 : i1 to i32
        %cond3A_167 = arith.constant 0 : i32
        %cond3A_168 = arith.cmpi ne, %convert_element_type3A_166, %cond3A_167 : i32
        scf.if %cond3A_168 {
          %ge3A = arith.constant 1 : i32
          %ge3A_227 = arith.cmpi sge, %scan3A_143, %ge3A : i32
          %convert_element_type3A_228 = arith.extui %ge3A_227 : i1 to i32
          %cond3A_229 = arith.constant 0 : i32
          %cond3A_230 = arith.cmpi ne, %convert_element_type3A_228, %cond3A_229 : i32
          scf.if %cond3A_230 {
            %sub3A = arith.constant 1 : i32
            %sub3A_257 = arith.subi %scan3A_143, %sub3A : i32
            %mul3A_258 = arith.constant 320 : i32
            %mul3A_259 = arith.muli %sub3A_257, %mul3A_258 : i32
            %add3A_260 = arith.addi %mul3A_2, %mul3A_259 : i32
            %dma_wait3A_261 = arith.constant 0 : i32
            %dma_wait3A_262 = arith.constant 0 : i32
            %dma_wait3A_263 = arith.constant 0 : i32
            %dma_wait3A_264 = tpu.memref_slice %arg8[%dma_wait3A_261, %dma_wait3A_262, %dma_wait3A_263] : memref<2x160x128xf32, #tpu.memory_space<vmem>> -> memref<1x160x128xf32, #tpu.memory_space<vmem>>
            %dma_wait3A_265 = tpu.memref_squeeze %dma_wait3A_264 : memref<1x160x128xf32, #tpu.memory_space<vmem>> -> memref<160x128xf32, #tpu.memory_space<vmem>>
            %dma_wait3A_266 = arith.constant 0 : i32
            %dma_wait3A_267 = tpu.memref_slice %arg4[%add3A_260, %dma_wait3A_266] : memref<204800x128xf32, #tpu.memory_space<hbm>> -> memref<160x128xf32, #tpu.memory_space<hbm>>
            %dma_wait3A_268 = arith.constant 0 : i32
            %dma_wait3A_269 = tpu.memref_slice %arg4[%add3A_260, %dma_wait3A_268] : memref<204800x128xf32, #tpu.memory_space<hbm>> -> memref<160x128xf32, #tpu.memory_space<hbm>>
            %dma_wait3A_270 = arith.constant 0 : i32
            %dma_wait3A_271 = arith.constant 0 : i32
            %dma_wait3A_272 = tpu.memref_slice %arg8[%dma_wait3A_261, %dma_wait3A_270, %dma_wait3A_271] : memref<2x160x128xf32, #tpu.memory_space<vmem>> -> memref<1x160x128xf32, #tpu.memory_space<vmem>>
            %dma_wait3A_273 = tpu.memref_squeeze %dma_wait3A_272 : memref<1x160x128xf32, #tpu.memory_space<vmem>> -> memref<160x128xf32, #tpu.memory_space<vmem>>
            tpu.wait_dma2 semaphore(%arg14 : memref<!tpu.dma_semaphore, #tpu.memory_space<semaphore_mem>>) src(%dma_wait3A_273 : memref<160x128xf32, #tpu.memory_space<vmem>>) dst(%dma_wait3A_269 : memref<160x128xf32, #tpu.memory_space<hbm>>)
            %mul3A_274 = arith.constant 320 : i32
            %mul3A_275 = arith.muli %sub3A_257, %mul3A_274 : i32
            %add3A_276 = arith.addi %mul3A_2, %mul3A_275 : i32
            %add3A_277 = arith.constant 160 : i32
            %add3A_278 = arith.addi %add3A_276, %add3A_277 : i32
            %dma_wait3A_279 = arith.constant 1 : i32
            %dma_wait3A_280 = arith.constant 0 : i32
            %dma_wait3A_281 = arith.constant 0 : i32
            %dma_wait3A_282 = tpu.memref_slice %arg8[%dma_wait3A_279, %dma_wait3A_280, %dma_wait3A_281] : memref<2x160x128xf32, #tpu.memory_space<vmem>> -> memref<1x160x128xf32, #tpu.memory_space<vmem>>
            %dma_wait3A_283 = tpu.memref_squeeze %dma_wait3A_282 : memref<1x160x128xf32, #tpu.memory_space<vmem>> -> memref<160x128xf32, #tpu.memory_space<vmem>>
            %dma_wait3A_284 = arith.constant 0 : i32
            %dma_wait3A_285 = tpu.memref_slice %arg4[%add3A_278, %dma_wait3A_284] : memref<204800x128xf32, #tpu.memory_space<hbm>> -> memref<160x128xf32, #tpu.memory_space<hbm>>
            %dma_wait3A_286 = arith.constant 0 : i32
            %dma_wait3A_287 = tpu.memref_slice %arg4[%add3A_278, %dma_wait3A_286] : memref<204800x128xf32, #tpu.memory_space<hbm>> -> memref<160x128xf32, #tpu.memory_space<hbm>>
            %dma_wait3A_288 = arith.constant 0 : i32
            %dma_wait3A_289 = arith.constant 0 : i32
            %dma_wait3A_290 = tpu.memref_slice %arg8[%dma_wait3A_279, %dma_wait3A_288, %dma_wait3A_289] : memref<2x160x128xf32, #tpu.memory_space<vmem>> -> memref<1x160x128xf32, #tpu.memory_space<vmem>>
            %dma_wait3A_291 = tpu.memref_squeeze %dma_wait3A_290 : memref<1x160x128xf32, #tpu.memory_space<vmem>> -> memref<160x128xf32, #tpu.memory_space<vmem>>
            tpu.wait_dma2 semaphore(%arg14 : memref<!tpu.dma_semaphore, #tpu.memory_space<semaphore_mem>>) src(%dma_wait3A_291 : memref<160x128xf32, #tpu.memory_space<vmem>>) dst(%dma_wait3A_287 : memref<160x128xf32, #tpu.memory_space<hbm>>)
          } else {
          }
          %add3A_231 = arith.constant 2 : i32
          %add3A_232 = arith.addi %scan3A_143, %add3A_231 : i32
          %mul3A_233 = arith.constant 320 : i32
          %mul3A_234 = arith.muli %add3A_232, %mul3A_233 : i32
          %dma_start3A_235 = arith.constant 0 : i32
          %dma_start3A_236 = arith.constant 0 : i32
          %dma_start3A_237 = arith.constant 0 : i32
          %dma_start3A_238 = tpu.memref_slice %arg8[%dma_start3A_235, %dma_start3A_236, %dma_start3A_237] : memref<2x160x128xf32, #tpu.memory_space<vmem>> -> memref<1x160x128xf32, #tpu.memory_space<vmem>>
          %dma_start3A_239 = tpu.memref_squeeze %dma_start3A_238 : memref<1x160x128xf32, #tpu.memory_space<vmem>> -> memref<160x128xf32, #tpu.memory_space<vmem>>
          %dma_start3A_240 = tpu.memref_slice %arg5[%mul3A_234] : memref<6400xi32, #tpu.memory_space<vmem>> -> memref<160xi32, #tpu.memory_space<vmem>>
          %dma_start3A_241 = arith.constant 0 : i32
          %dma_start3A_242 = arith.constant 0 : i32
          %dma_start3A_243 = tpu.memref_slice %arg2[%dma_start3A_241, %dma_start3A_242] : memref<100000x128xf32, #tpu.memory_space<hbm>> -> memref<100000x128xf32, #tpu.memory_space<hbm>>
          tpu.enqueue_indirect_dma source(%dma_start3A_243 : memref<100000x128xf32, #tpu.memory_space<hbm>>) target(%dma_start3A_239 : memref<160x128xf32, #tpu.memory_space<vmem>>) offsets(%dma_start3A_240 : memref<160xi32, #tpu.memory_space<vmem>>) semaphore(%arg11 : memref<!tpu.dma_semaphore, #tpu.memory_space<semaphore_mem>>)
          %mul3A_244 = arith.constant 320 : i32
          %mul3A_245 = arith.muli %add3A_232, %mul3A_244 : i32
          %add3A_246 = arith.constant 160 : i32
          %add3A_247 = arith.addi %mul3A_245, %add3A_246 : i32
          %dma_start3A_248 = arith.constant 1 : i32
          %dma_start3A_249 = arith.constant 0 : i32
          %dma_start3A_250 = arith.constant 0 : i32
          %dma_start3A_251 = tpu.memref_slice %arg8[%dma_start3A_248, %dma_start3A_249, %dma_start3A_250] : memref<2x160x128xf32, #tpu.memory_space<vmem>> -> memref<1x160x128xf32, #tpu.memory_space<vmem>>
          %dma_start3A_252 = tpu.memref_squeeze %dma_start3A_251 : memref<1x160x128xf32, #tpu.memory_space<vmem>> -> memref<160x128xf32, #tpu.memory_space<vmem>>
          %dma_start3A_253 = tpu.memref_slice %arg5[%add3A_247] : memref<6400xi32, #tpu.memory_space<vmem>> -> memref<160xi32, #tpu.memory_space<vmem>>
          %dma_start3A_254 = arith.constant 0 : i32
          %dma_start3A_255 = arith.constant 0 : i32
          %dma_start3A_256 = tpu.memref_slice %arg2[%dma_start3A_254, %dma_start3A_255] : memref<100000x128xf32, #tpu.memory_space<hbm>> -> memref<100000x128xf32, #tpu.memory_space<hbm>>
          tpu.enqueue_indirect_dma source(%dma_start3A_256 : memref<100000x128xf32, #tpu.memory_space<hbm>>) target(%dma_start3A_252 : memref<160x128xf32, #tpu.memory_space<vmem>>) offsets(%dma_start3A_253 : memref<160xi32, #tpu.memory_space<vmem>>) semaphore(%arg11 : memref<!tpu.dma_semaphore, #tpu.memory_space<semaphore_mem>>)
        } else {
        }
        %mul3A_169 = arith.constant 320 : i32
        %mul3A_170 = arith.muli %scan3A_143, %mul3A_169 : i32
        %dma_wait3A_171 = arith.constant 0 : i32
        %dma_wait3A_172 = arith.constant 0 : i32
        %dma_wait3A_173 = arith.constant 0 : i32
        %dma_wait3A_174 = tpu.memref_slice %arg6[%dma_wait3A_171, %dma_wait3A_172, %dma_wait3A_173] : memref<2x160x128xf32, #tpu.memory_space<vmem>> -> memref<1x160x128xf32, #tpu.memory_space<vmem>>
        %dma_wait3A_175 = tpu.memref_squeeze %dma_wait3A_174 : memref<1x160x128xf32, #tpu.memory_space<vmem>> -> memref<160x128xf32, #tpu.memory_space<vmem>>
        %dma_wait3A_176 = tpu.memref_slice %arg5[%mul3A_170] : memref<6400xi32, #tpu.memory_space<vmem>> -> memref<160xi32, #tpu.memory_space<vmem>>
        %dma_wait3A_177 = arith.constant 0 : i32
        %dma_wait3A_178 = arith.constant 0 : i32
        %dma_wait3A_179 = tpu.memref_slice %arg2[%dma_wait3A_177, %dma_wait3A_178] : memref<100000x128xf32, #tpu.memory_space<hbm>> -> memref<100000x128xf32, #tpu.memory_space<hbm>>
        tpu.wait_indirect_dma semaphore(%arg9 : memref<!tpu.dma_semaphore, #tpu.memory_space<semaphore_mem>>) src(%dma_wait3A_179 : memref<100000x128xf32, #tpu.memory_space<hbm>>) dst(%dma_wait3A_175 : memref<160x128xf32, #tpu.memory_space<vmem>>)
        %mul3A_180 = arith.constant 320 : i32
        %mul3A_181 = arith.muli %scan3A_143, %mul3A_180 : i32
        %add3A_182 = arith.constant 160 : i32
        %add3A_183 = arith.addi %mul3A_181, %add3A_182 : i32
        %dma_wait3A_184 = arith.constant 1 : i32
        %dma_wait3A_185 = arith.constant 0 : i32
        %dma_wait3A_186 = arith.constant 0 : i32
        %dma_wait3A_187 = tpu.memref_slice %arg6[%dma_wait3A_184, %dma_wait3A_185, %dma_wait3A_186] : memref<2x160x128xf32, #tpu.memory_space<vmem>> -> memref<1x160x128xf32, #tpu.memory_space<vmem>>
        %dma_wait3A_188 = tpu.memref_squeeze %dma_wait3A_187 : memref<1x160x128xf32, #tpu.memory_space<vmem>> -> memref<160x128xf32, #tpu.memory_space<vmem>>
        %dma_wait3A_189 = tpu.memref_slice %arg5[%add3A_183] : memref<6400xi32, #tpu.memory_space<vmem>> -> memref<160xi32, #tpu.memory_space<vmem>>
        %dma_wait3A_190 = arith.constant 0 : i32
        %dma_wait3A_191 = arith.constant 0 : i32
        %dma_wait3A_192 = tpu.memref_slice %arg2[%dma_wait3A_190, %dma_wait3A_191] : memref<100000x128xf32, #tpu.memory_space<hbm>> -> memref<100000x128xf32, #tpu.memory_space<hbm>>
        tpu.wait_indirect_dma semaphore(%arg9 : memref<!tpu.dma_semaphore, #tpu.memory_space<semaphore_mem>>) src(%dma_wait3A_192 : memref<100000x128xf32, #tpu.memory_space<hbm>>) dst(%dma_wait3A_188 : memref<160x128xf32, #tpu.memory_space<vmem>>)
        %mul3A_193 = arith.constant 320 : i32
        %mul3A_194 = arith.muli %scan3A_143, %mul3A_193 : i32
        %add3A_195 = arith.addi %mul3A_2, %mul3A_194 : i32
        %dma_start3A_196 = arith.constant 0 : i32
        %dma_start3A_197 = arith.constant 0 : i32
        %dma_start3A_198 = arith.constant 0 : i32
        %dma_start3A_199 = tpu.memref_slice %arg6[%dma_start3A_196, %dma_start3A_197, %dma_start3A_198] : memref<2x160x128xf32, #tpu.memory_space<vmem>> -> memref<1x160x128xf32, #tpu.memory_space<vmem>>
        %dma_start3A_200 = tpu.memref_squeeze %dma_start3A_199 : memref<1x160x128xf32, #tpu.memory_space<vmem>> -> memref<160x128xf32, #tpu.memory_space<vmem>>
        %dma_start3A_201 = arith.constant 0 : i32
        %dma_start3A_202 = tpu.memref_slice %arg4[%add3A_195, %dma_start3A_201] : memref<204800x128xf32, #tpu.memory_space<hbm>> -> memref<160x128xf32, #tpu.memory_space<hbm>>
        %dma_start3A_203 = arith.constant 0 : i32
        %dma_start3A_204 = tpu.memref_slice %arg4[%add3A_195, %dma_start3A_203] : memref<204800x128xf32, #tpu.memory_space<hbm>> -> memref<160x128xf32, #tpu.memory_space<hbm>>
        %dma_start3A_205 = arith.constant 0 : i32
        %dma_start3A_206 = arith.constant 0 : i32
        %dma_start3A_207 = tpu.memref_slice %arg6[%dma_start3A_196, %dma_start3A_205, %dma_start3A_206] : memref<2x160x128xf32, #tpu.memory_space<vmem>> -> memref<1x160x128xf32, #tpu.memory_space<vmem>>
        %dma_start3A_208 = tpu.memref_squeeze %dma_start3A_207 : memref<1x160x128xf32, #tpu.memory_space<vmem>> -> memref<160x128xf32, #tpu.memory_space<vmem>>
        tpu.enqueue_dma source(%dma_start3A_208 : memref<160x128xf32, #tpu.memory_space<vmem>>) target(%dma_start3A_204 : memref<160x128xf32, #tpu.memory_space<hbm>>) target_semaphore(%arg12 : memref<!tpu.dma_semaphore, #tpu.memory_space<semaphore_mem>>)
        %mul3A_209 = arith.constant 320 : i32
        %mul3A_210 = arith.muli %scan3A_143, %mul3A_209 : i32
        %add3A_211 = arith.addi %mul3A_2, %mul3A_210 : i32
        %add3A_212 = arith.constant 160 : i32
        %add3A_213 = arith.addi %add3A_211, %add3A_212 : i32
        %dma_start3A_214 = arith.constant 1 : i32
        %dma_start3A_215 = arith.constant 0 : i32
        %dma_start3A_216 = arith.constant 0 : i32
        %dma_start3A_217 = tpu.memref_slice %arg6[%dma_start3A_214, %dma_start3A_215, %dma_start3A_216] : memref<2x160x128xf32, #tpu.memory_space<vmem>> -> memref<1x160x128xf32, #tpu.memory_space<vmem>>
        %dma_start3A_218 = tpu.memref_squeeze %dma_start3A_217 : memref<1x160x128xf32, #tpu.memory_space<vmem>> -> memref<160x128xf32, #tpu.memory_space<vmem>>
        %dma_start3A_219 = arith.constant 0 : i32
        %dma_start3A_220 = tpu.memref_slice %arg4[%add3A_213, %dma_start3A_219] : memref<204800x128xf32, #tpu.memory_space<hbm>> -> memref<160x128xf32, #tpu.memory_space<hbm>>
        %dma_start3A_221 = arith.constant 0 : i32
        %dma_start3A_222 = tpu.memref_slice %arg4[%add3A_213, %dma_start3A_221] : memref<204800x128xf32, #tpu.memory_space<hbm>> -> memref<160x128xf32, #tpu.memory_space<hbm>>
        %dma_start3A_223 = arith.constant 0 : i32
        %dma_start3A_224 = arith.constant 0 : i32
        %dma_start3A_225 = tpu.memref_slice %arg6[%dma_start3A_214, %dma_start3A_223, %dma_start3A_224] : memref<2x160x128xf32, #tpu.memory_space<vmem>> -> memref<1x160x128xf32, #tpu.memory_space<vmem>>
        %dma_start3A_226 = tpu.memref_squeeze %dma_start3A_225 : memref<1x160x128xf32, #tpu.memory_space<vmem>> -> memref<160x128xf32, #tpu.memory_space<vmem>>
        tpu.enqueue_dma source(%dma_start3A_226 : memref<160x128xf32, #tpu.memory_space<vmem>>) target(%dma_start3A_222 : memref<160x128xf32, #tpu.memory_space<hbm>>) target_semaphore(%arg12 : memref<!tpu.dma_semaphore, #tpu.memory_space<semaphore_mem>>)
      } else {
      }
      %rem3A_148 = arith.constant 3 : i32
      %rem3A_149 = arith.remsi %scan3A_143, %rem3A_148 : i32
      %eq3A_150 = arith.constant 1 : i32
      %eq3A_151 = arith.cmpi eq, %rem3A_149, %eq3A_150 : i32
      %convert_element_type3A_152 = arith.extui %eq3A_151 : i1 to i32
      %cond3A_153 = arith.constant 0 : i32
      %cond3A_154 = arith.cmpi ne, %convert_element_type3A_152, %cond3A_153 : i32
      scf.if %cond3A_154 {
        %add3A_163 = arith.constant 2 : i32
        %add3A_164 = arith.addi %scan3A_143, %add3A_163 : i32
        %lt3A = arith.constant 20 : i32
        %lt3A_165 = arith.cmpi slt, %add3A_164, %lt3A : i32
        %convert_element_type3A_166 = arith.extui %lt3A_165 : i1 to i32
        %cond3A_167 = arith.constant 0 : i32
        %cond3A_168 = arith.cmpi ne, %convert_element_type3A_166, %cond3A_167 : i32
        scf.if %cond3A_168 {
          %ge3A = arith.constant 1 : i32
          %ge3A_227 = arith.cmpi sge, %scan3A_143, %ge3A : i32
          %convert_element_type3A_228 = arith.extui %ge3A_227 : i1 to i32
          %cond3A_229 = arith.constant 0 : i32
          %cond3A_230 = arith.cmpi ne, %convert_element_type3A_228, %cond3A_229 : i32
          scf.if %cond3A_230 {
            %sub3A = arith.constant 1 : i32
            %sub3A_257 = arith.subi %scan3A_143, %sub3A : i32
            %mul3A_258 = arith.constant 320 : i32
            %mul3A_259 = arith.muli %sub3A_257, %mul3A_258 : i32
            %add3A_260 = arith.addi %mul3A_2, %mul3A_259 : i32
            %dma_wait3A_261 = arith.constant 0 : i32
            %dma_wait3A_262 = arith.constant 0 : i32
            %dma_wait3A_263 = arith.constant 0 : i32
            %dma_wait3A_264 = tpu.memref_slice %arg6[%dma_wait3A_261, %dma_wait3A_262, %dma_wait3A_263] : memref<2x160x128xf32, #tpu.memory_space<vmem>> -> memref<1x160x128xf32, #tpu.memory_space<vmem>>
            %dma_wait3A_265 = tpu.memref_squeeze %dma_wait3A_264 : memref<1x160x128xf32, #tpu.memory_space<vmem>> -> memref<160x128xf32, #tpu.memory_space<vmem>>
            %dma_wait3A_266 = arith.constant 0 : i32
            %dma_wait3A_267 = tpu.memref_slice %arg4[%add3A_260, %dma_wait3A_266] : memref<204800x128xf32, #tpu.memory_space<hbm>> -> memref<160x128xf32, #tpu.memory_space<hbm>>
            %dma_wait3A_268 = arith.constant 0 : i32
            %dma_wait3A_269 = tpu.memref_slice %arg4[%add3A_260, %dma_wait3A_268] : memref<204800x128xf32, #tpu.memory_space<hbm>> -> memref<160x128xf32, #tpu.memory_space<hbm>>
            %dma_wait3A_270 = arith.constant 0 : i32
            %dma_wait3A_271 = arith.constant 0 : i32
            %dma_wait3A_272 = tpu.memref_slice %arg6[%dma_wait3A_261, %dma_wait3A_270, %dma_wait3A_271] : memref<2x160x128xf32, #tpu.memory_space<vmem>> -> memref<1x160x128xf32, #tpu.memory_space<vmem>>
            %dma_wait3A_273 = tpu.memref_squeeze %dma_wait3A_272 : memref<1x160x128xf32, #tpu.memory_space<vmem>> -> memref<160x128xf32, #tpu.memory_space<vmem>>
            tpu.wait_dma2 semaphore(%arg12 : memref<!tpu.dma_semaphore, #tpu.memory_space<semaphore_mem>>) src(%dma_wait3A_273 : memref<160x128xf32, #tpu.memory_space<vmem>>) dst(%dma_wait3A_269 : memref<160x128xf32, #tpu.memory_space<hbm>>)
            %mul3A_274 = arith.constant 320 : i32
            %mul3A_275 = arith.muli %sub3A_257, %mul3A_274 : i32
            %add3A_276 = arith.addi %mul3A_2, %mul3A_275 : i32
            %add3A_277 = arith.constant 160 : i32
            %add3A_278 = arith.addi %add3A_276, %add3A_277 : i32
            %dma_wait3A_279 = arith.constant 1 : i32
            %dma_wait3A_280 = arith.constant 0 : i32
            %dma_wait3A_281 = arith.constant 0 : i32
            %dma_wait3A_282 = tpu.memref_slice %arg6[%dma_wait3A_279, %dma_wait3A_280, %dma_wait3A_281] : memref<2x160x128xf32, #tpu.memory_space<vmem>> -> memref<1x160x128xf32, #tpu.memory_space<vmem>>
            %dma_wait3A_283 = tpu.memref_squeeze %dma_wait3A_282 : memref<1x160x128xf32, #tpu.memory_space<vmem>> -> memref<160x128xf32, #tpu.memory_space<vmem>>
            %dma_wait3A_284 = arith.constant 0 : i32
            %dma_wait3A_285 = tpu.memref_slice %arg4[%add3A_278, %dma_wait3A_284] : memref<204800x128xf32, #tpu.memory_space<hbm>> -> memref<160x128xf32, #tpu.memory_space<hbm>>
            %dma_wait3A_286 = arith.constant 0 : i32
            %dma_wait3A_287 = tpu.memref_slice %arg4[%add3A_278, %dma_wait3A_286] : memref<204800x128xf32, #tpu.memory_space<hbm>> -> memref<160x128xf32, #tpu.memory_space<hbm>>
            %dma_wait3A_288 = arith.constant 0 : i32
            %dma_wait3A_289 = arith.constant 0 : i32
            %dma_wait3A_290 = tpu.memref_slice %arg6[%dma_wait3A_279, %dma_wait3A_288, %dma_wait3A_289] : memref<2x160x128xf32, #tpu.memory_space<vmem>> -> memref<1x160x128xf32, #tpu.memory_space<vmem>>
            %dma_wait3A_291 = tpu.memref_squeeze %dma_wait3A_290 : memref<1x160x128xf32, #tpu.memory_space<vmem>> -> memref<160x128xf32, #tpu.memory_space<vmem>>
            tpu.wait_dma2 semaphore(%arg12 : memref<!tpu.dma_semaphore, #tpu.memory_space<semaphore_mem>>) src(%dma_wait3A_291 : memref<160x128xf32, #tpu.memory_space<vmem>>) dst(%dma_wait3A_287 : memref<160x128xf32, #tpu.memory_space<hbm>>)
          } else {
          }
          %add3A_231 = arith.constant 2 : i32
          %add3A_232 = arith.addi %scan3A_143, %add3A_231 : i32
          %mul3A_233 = arith.constant 320 : i32
          %mul3A_234 = arith.muli %add3A_232, %mul3A_233 : i32
          %dma_start3A_235 = arith.constant 0 : i32
          %dma_start3A_236 = arith.constant 0 : i32
          %dma_start3A_237 = arith.constant 0 : i32
          %dma_start3A_238 = tpu.memref_slice %arg6[%dma_start3A_235, %dma_start3A_236, %dma_start3A_237] : memref<2x160x128xf32, #tpu.memory_space<vmem>> -> memref<1x160x128xf32, #tpu.memory_space<vmem>>
          %dma_start3A_239 = tpu.memref_squeeze %dma_start3A_238 : memref<1x160x128xf32, #tpu.memory_space<vmem>> -> memref<160x128xf32, #tpu.memory_space<vmem>>
          %dma_start3A_240 = tpu.memref_slice %arg5[%mul3A_234] : memref<6400xi32, #tpu.memory_space<vmem>> -> memref<160xi32, #tpu.memory_space<vmem>>
          %dma_start3A_241 = arith.constant 0 : i32
          %dma_start3A_242 = arith.constant 0 : i32
          %dma_start3A_243 = tpu.memref_slice %arg2[%dma_start3A_241, %dma_start3A_242] : memref<100000x128xf32, #tpu.memory_space<hbm>> -> memref<100000x128xf32, #tpu.memory_space<hbm>>
          tpu.enqueue_indirect_dma source(%dma_start3A_243 : memref<100000x128xf32, #tpu.memory_space<hbm>>) target(%dma_start3A_239 : memref<160x128xf32, #tpu.memory_space<vmem>>) offsets(%dma_start3A_240 : memref<160xi32, #tpu.memory_space<vmem>>) semaphore(%arg9 : memref<!tpu.dma_semaphore, #tpu.memory_space<semaphore_mem>>)
          %mul3A_244 = arith.constant 320 : i32
          %mul3A_245 = arith.muli %add3A_232, %mul3A_244 : i32
          %add3A_246 = arith.constant 160 : i32
          %add3A_247 = arith.addi %mul3A_245, %add3A_246 : i32
          %dma_start3A_248 = arith.constant 1 : i32
          %dma_start3A_249 = arith.constant 0 : i32
          %dma_start3A_250 = arith.constant 0 : i32
          %dma_start3A_251 = tpu.memref_slice %arg6[%dma_start3A_248, %dma_start3A_249, %dma_start3A_250] : memref<2x160x128xf32, #tpu.memory_space<vmem>> -> memref<1x160x128xf32, #tpu.memory_space<vmem>>
          %dma_start3A_252 = tpu.memref_squeeze %dma_start3A_251 : memref<1x160x128xf32, #tpu.memory_space<vmem>> -> memref<160x128xf32, #tpu.memory_space<vmem>>
          %dma_start3A_253 = tpu.memref_slice %arg5[%add3A_247] : memref<6400xi32, #tpu.memory_space<vmem>> -> memref<160xi32, #tpu.memory_space<vmem>>
          %dma_start3A_254 = arith.constant 0 : i32
          %dma_start3A_255 = arith.constant 0 : i32
          %dma_start3A_256 = tpu.memref_slice %arg2[%dma_start3A_254, %dma_start3A_255] : memref<100000x128xf32, #tpu.memory_space<hbm>> -> memref<100000x128xf32, #tpu.memory_space<hbm>>
          tpu.enqueue_indirect_dma source(%dma_start3A_256 : memref<100000x128xf32, #tpu.memory_space<hbm>>) target(%dma_start3A_252 : memref<160x128xf32, #tpu.memory_space<vmem>>) offsets(%dma_start3A_253 : memref<160xi32, #tpu.memory_space<vmem>>) semaphore(%arg9 : memref<!tpu.dma_semaphore, #tpu.memory_space<semaphore_mem>>)
        } else {
        }
        %mul3A_169 = arith.constant 320 : i32
        %mul3A_170 = arith.muli %scan3A_143, %mul3A_169 : i32
        %dma_wait3A_171 = arith.constant 0 : i32
        %dma_wait3A_172 = arith.constant 0 : i32
        %dma_wait3A_173 = arith.constant 0 : i32
        %dma_wait3A_174 = tpu.memref_slice %arg7[%dma_wait3A_171, %dma_wait3A_172, %dma_wait3A_173] : memref<2x160x128xf32, #tpu.memory_space<vmem>> -> memref<1x160x128xf32, #tpu.memory_space<vmem>>
        %dma_wait3A_175 = tpu.memref_squeeze %dma_wait3A_174 : memref<1x160x128xf32, #tpu.memory_space<vmem>> -> memref<160x128xf32, #tpu.memory_space<vmem>>
        %dma_wait3A_176 = tpu.memref_slice %arg5[%mul3A_170] : memref<6400xi32, #tpu.memory_space<vmem>> -> memref<160xi32, #tpu.memory_space<vmem>>
        %dma_wait3A_177 = arith.constant 0 : i32
        %dma_wait3A_178 = arith.constant 0 : i32
        %dma_wait3A_179 = tpu.memref_slice %arg2[%dma_wait3A_177, %dma_wait3A_178] : memref<100000x128xf32, #tpu.memory_space<hbm>> -> memref<100000x128xf32, #tpu.memory_space<hbm>>
        tpu.wait_indirect_dma semaphore(%arg10 : memref<!tpu.dma_semaphore, #tpu.memory_space<semaphore_mem>>) src(%dma_wait3A_179 : memref<100000x128xf32, #tpu.memory_space<hbm>>) dst(%dma_wait3A_175 : memref<160x128xf32, #tpu.memory_space<vmem>>)
        %mul3A_180 = arith.constant 320 : i32
        %mul3A_181 = arith.muli %scan3A_143, %mul3A_180 : i32
        %add3A_182 = arith.constant 160 : i32
        %add3A_183 = arith.addi %mul3A_181, %add3A_182 : i32
        %dma_wait3A_184 = arith.constant 1 : i32
        %dma_wait3A_185 = arith.constant 0 : i32
        %dma_wait3A_186 = arith.constant 0 : i32
        %dma_wait3A_187 = tpu.memref_slice %arg7[%dma_wait3A_184, %dma_wait3A_185, %dma_wait3A_186] : memref<2x160x128xf32, #tpu.memory_space<vmem>> -> memref<1x160x128xf32, #tpu.memory_space<vmem>>
        %dma_wait3A_188 = tpu.memref_squeeze %dma_wait3A_187 : memref<1x160x128xf32, #tpu.memory_space<vmem>> -> memref<160x128xf32, #tpu.memory_space<vmem>>
        %dma_wait3A_189 = tpu.memref_slice %arg5[%add3A_183] : memref<6400xi32, #tpu.memory_space<vmem>> -> memref<160xi32, #tpu.memory_space<vmem>>
        %dma_wait3A_190 = arith.constant 0 : i32
        %dma_wait3A_191 = arith.constant 0 : i32
        %dma_wait3A_192 = tpu.memref_slice %arg2[%dma_wait3A_190, %dma_wait3A_191] : memref<100000x128xf32, #tpu.memory_space<hbm>> -> memref<100000x128xf32, #tpu.memory_space<hbm>>
        tpu.wait_indirect_dma semaphore(%arg10 : memref<!tpu.dma_semaphore, #tpu.memory_space<semaphore_mem>>) src(%dma_wait3A_192 : memref<100000x128xf32, #tpu.memory_space<hbm>>) dst(%dma_wait3A_188 : memref<160x128xf32, #tpu.memory_space<vmem>>)
        %mul3A_193 = arith.constant 320 : i32
        %mul3A_194 = arith.muli %scan3A_143, %mul3A_193 : i32
        %add3A_195 = arith.addi %mul3A_2, %mul3A_194 : i32
        %dma_start3A_196 = arith.constant 0 : i32
        %dma_start3A_197 = arith.constant 0 : i32
        %dma_start3A_198 = arith.constant 0 : i32
        %dma_start3A_199 = tpu.memref_slice %arg7[%dma_start3A_196, %dma_start3A_197, %dma_start3A_198] : memref<2x160x128xf32, #tpu.memory_space<vmem>> -> memref<1x160x128xf32, #tpu.memory_space<vmem>>
        %dma_start3A_200 = tpu.memref_squeeze %dma_start3A_199 : memref<1x160x128xf32, #tpu.memory_space<vmem>> -> memref<160x128xf32, #tpu.memory_space<vmem>>
        %dma_start3A_201 = arith.constant 0 : i32
        %dma_start3A_202 = tpu.memref_slice %arg4[%add3A_195, %dma_start3A_201] : memref<204800x128xf32, #tpu.memory_space<hbm>> -> memref<160x128xf32, #tpu.memory_space<hbm>>
        %dma_start3A_203 = arith.constant 0 : i32
        %dma_start3A_204 = tpu.memref_slice %arg4[%add3A_195, %dma_start3A_203] : memref<204800x128xf32, #tpu.memory_space<hbm>> -> memref<160x128xf32, #tpu.memory_space<hbm>>
        %dma_start3A_205 = arith.constant 0 : i32
        %dma_start3A_206 = arith.constant 0 : i32
        %dma_start3A_207 = tpu.memref_slice %arg7[%dma_start3A_196, %dma_start3A_205, %dma_start3A_206] : memref<2x160x128xf32, #tpu.memory_space<vmem>> -> memref<1x160x128xf32, #tpu.memory_space<vmem>>
        %dma_start3A_208 = tpu.memref_squeeze %dma_start3A_207 : memref<1x160x128xf32, #tpu.memory_space<vmem>> -> memref<160x128xf32, #tpu.memory_space<vmem>>
        tpu.enqueue_dma source(%dma_start3A_208 : memref<160x128xf32, #tpu.memory_space<vmem>>) target(%dma_start3A_204 : memref<160x128xf32, #tpu.memory_space<hbm>>) target_semaphore(%arg13 : memref<!tpu.dma_semaphore, #tpu.memory_space<semaphore_mem>>)
        %mul3A_209 = arith.constant 320 : i32
        %mul3A_210 = arith.muli %scan3A_143, %mul3A_209 : i32
        %add3A_211 = arith.addi %mul3A_2, %mul3A_210 : i32
        %add3A_212 = arith.constant 160 : i32
        %add3A_213 = arith.addi %add3A_211, %add3A_212 : i32
        %dma_start3A_214 = arith.constant 1 : i32
        %dma_start3A_215 = arith.constant 0 : i32
        %dma_start3A_216 = arith.constant 0 : i32
        %dma_start3A_217 = tpu.memref_slice %arg7[%dma_start3A_214, %dma_start3A_215, %dma_start3A_216] : memref<2x160x128xf32, #tpu.memory_space<vmem>> -> memref<1x160x128xf32, #tpu.memory_space<vmem>>
        %dma_start3A_218 = tpu.memref_squeeze %dma_start3A_217 : memref<1x160x128xf32, #tpu.memory_space<vmem>> -> memref<160x128xf32, #tpu.memory_space<vmem>>
        %dma_start3A_219 = arith.constant 0 : i32
        %dma_start3A_220 = tpu.memref_slice %arg4[%add3A_213, %dma_start3A_219] : memref<204800x128xf32, #tpu.memory_space<hbm>> -> memref<160x128xf32, #tpu.memory_space<hbm>>
        %dma_start3A_221 = arith.constant 0 : i32
        %dma_start3A_222 = tpu.memref_slice %arg4[%add3A_213, %dma_start3A_221] : memref<204800x128xf32, #tpu.memory_space<hbm>> -> memref<160x128xf32, #tpu.memory_space<hbm>>
        %dma_start3A_223 = arith.constant 0 : i32
        %dma_start3A_224 = arith.constant 0 : i32
        %dma_start3A_225 = tpu.memref_slice %arg7[%dma_start3A_214, %dma_start3A_223, %dma_start3A_224] : memref<2x160x128xf32, #tpu.memory_space<vmem>> -> memref<1x160x128xf32, #tpu.memory_space<vmem>>
        %dma_start3A_226 = tpu.memref_squeeze %dma_start3A_225 : memref<1x160x128xf32, #tpu.memory_space<vmem>> -> memref<160x128xf32, #tpu.memory_space<vmem>>
        tpu.enqueue_dma source(%dma_start3A_226 : memref<160x128xf32, #tpu.memory_space<vmem>>) target(%dma_start3A_222 : memref<160x128xf32, #tpu.memory_space<hbm>>) target_semaphore(%arg13 : memref<!tpu.dma_semaphore, #tpu.memory_space<semaphore_mem>>)
      } else {
      }
      %rem3A_155 = arith.constant 3 : i32
      %rem3A_156 = arith.remsi %scan3A_143, %rem3A_155 : i32
      %eq3A_157 = arith.constant 2 : i32
      %eq3A_158 = arith.cmpi eq, %rem3A_156, %eq3A_157 : i32
      %convert_element_type3A_159 = arith.extui %eq3A_158 : i1 to i32
      %cond3A_160 = arith.constant 0 : i32
      %cond3A_161 = arith.cmpi ne, %convert_element_type3A_159, %cond3A_160 : i32
      scf.if %cond3A_161 {
        %add3A_163 = arith.constant 2 : i32
        %add3A_164 = arith.addi %scan3A_143, %add3A_163 : i32
        %lt3A = arith.constant 20 : i32
        %lt3A_165 = arith.cmpi slt, %add3A_164, %lt3A : i32
        %convert_element_type3A_166 = arith.extui %lt3A_165 : i1 to i32
        %cond3A_167 = arith.constant 0 : i32
        %cond3A_168 = arith.cmpi ne, %convert_element_type3A_166, %cond3A_167 : i32
        scf.if %cond3A_168 {
          %ge3A = arith.constant 1 : i32
          %ge3A_227 = arith.cmpi sge, %scan3A_143, %ge3A : i32
          %convert_element_type3A_228 = arith.extui %ge3A_227 : i1 to i32
          %cond3A_229 = arith.constant 0 : i32
          %cond3A_230 = arith.cmpi ne, %convert_element_type3A_228, %cond3A_229 : i32
          scf.if %cond3A_230 {
            %sub3A = arith.constant 1 : i32
            %sub3A_257 = arith.subi %scan3A_143, %sub3A : i32
            %mul3A_258 = arith.constant 320 : i32
            %mul3A_259 = arith.muli %sub3A_257, %mul3A_258 : i32
            %add3A_260 = arith.addi %mul3A_2, %mul3A_259 : i32
            %dma_wait3A_261 = arith.constant 0 : i32
            %dma_wait3A_262 = arith.constant 0 : i32
            %dma_wait3A_263 = arith.constant 0 : i32
            %dma_wait3A_264 = tpu.memref_slice %arg7[%dma_wait3A_261, %dma_wait3A_262, %dma_wait3A_263] : memref<2x160x128xf32, #tpu.memory_space<vmem>> -> memref<1x160x128xf32, #tpu.memory_space<vmem>>
            %dma_wait3A_265 = tpu.memref_squeeze %dma_wait3A_264 : memref<1x160x128xf32, #tpu.memory_space<vmem>> -> memref<160x128xf32, #tpu.memory_space<vmem>>
            %dma_wait3A_266 = arith.constant 0 : i32
            %dma_wait3A_267 = tpu.memref_slice %arg4[%add3A_260, %dma_wait3A_266] : memref<204800x128xf32, #tpu.memory_space<hbm>> -> memref<160x128xf32, #tpu.memory_space<hbm>>
            %dma_wait3A_268 = arith.constant 0 : i32
            %dma_wait3A_269 = tpu.memref_slice %arg4[%add3A_260, %dma_wait3A_268] : memref<204800x128xf32, #tpu.memory_space<hbm>> -> memref<160x128xf32, #tpu.memory_space<hbm>>
            %dma_wait3A_270 = arith.constant 0 : i32
            %dma_wait3A_271 = arith.constant 0 : i32
            %dma_wait3A_272 = tpu.memref_slice %arg7[%dma_wait3A_261, %dma_wait3A_270, %dma_wait3A_271] : memref<2x160x128xf32, #tpu.memory_space<vmem>> -> memref<1x160x128xf32, #tpu.memory_space<vmem>>
            %dma_wait3A_273 = tpu.memref_squeeze %dma_wait3A_272 : memref<1x160x128xf32, #tpu.memory_space<vmem>> -> memref<160x128xf32, #tpu.memory_space<vmem>>
            tpu.wait_dma2 semaphore(%arg13 : memref<!tpu.dma_semaphore, #tpu.memory_space<semaphore_mem>>) src(%dma_wait3A_273 : memref<160x128xf32, #tpu.memory_space<vmem>>) dst(%dma_wait3A_269 : memref<160x128xf32, #tpu.memory_space<hbm>>)
            %mul3A_274 = arith.constant 320 : i32
            %mul3A_275 = arith.muli %sub3A_257, %mul3A_274 : i32
            %add3A_276 = arith.addi %mul3A_2, %mul3A_275 : i32
            %add3A_277 = arith.constant 160 : i32
            %add3A_278 = arith.addi %add3A_276, %add3A_277 : i32
            %dma_wait3A_279 = arith.constant 1 : i32
            %dma_wait3A_280 = arith.constant 0 : i32
            %dma_wait3A_281 = arith.constant 0 : i32
            %dma_wait3A_282 = tpu.memref_slice %arg7[%dma_wait3A_279, %dma_wait3A_280, %dma_wait3A_281] : memref<2x160x128xf32, #tpu.memory_space<vmem>> -> memref<1x160x128xf32, #tpu.memory_space<vmem>>
            %dma_wait3A_283 = tpu.memref_squeeze %dma_wait3A_282 : memref<1x160x128xf32, #tpu.memory_space<vmem>> -> memref<160x128xf32, #tpu.memory_space<vmem>>
            %dma_wait3A_284 = arith.constant 0 : i32
            %dma_wait3A_285 = tpu.memref_slice %arg4[%add3A_278, %dma_wait3A_284] : memref<204800x128xf32, #tpu.memory_space<hbm>> -> memref<160x128xf32, #tpu.memory_space<hbm>>
            %dma_wait3A_286 = arith.constant 0 : i32
            %dma_wait3A_287 = tpu.memref_slice %arg4[%add3A_278, %dma_wait3A_286] : memref<204800x128xf32, #tpu.memory_space<hbm>> -> memref<160x128xf32, #tpu.memory_space<hbm>>
            %dma_wait3A_288 = arith.constant 0 : i32
            %dma_wait3A_289 = arith.constant 0 : i32
            %dma_wait3A_290 = tpu.memref_slice %arg7[%dma_wait3A_279, %dma_wait3A_288, %dma_wait3A_289] : memref<2x160x128xf32, #tpu.memory_space<vmem>> -> memref<1x160x128xf32, #tpu.memory_space<vmem>>
            %dma_wait3A_291 = tpu.memref_squeeze %dma_wait3A_290 : memref<1x160x128xf32, #tpu.memory_space<vmem>> -> memref<160x128xf32, #tpu.memory_space<vmem>>
            tpu.wait_dma2 semaphore(%arg13 : memref<!tpu.dma_semaphore, #tpu.memory_space<semaphore_mem>>) src(%dma_wait3A_291 : memref<160x128xf32, #tpu.memory_space<vmem>>) dst(%dma_wait3A_287 : memref<160x128xf32, #tpu.memory_space<hbm>>)
          } else {
          }
          %add3A_231 = arith.constant 2 : i32
          %add3A_232 = arith.addi %scan3A_143, %add3A_231 : i32
          %mul3A_233 = arith.constant 320 : i32
          %mul3A_234 = arith.muli %add3A_232, %mul3A_233 : i32
          %dma_start3A_235 = arith.constant 0 : i32
          %dma_start3A_236 = arith.constant 0 : i32
          %dma_start3A_237 = arith.constant 0 : i32
          %dma_start3A_238 = tpu.memref_slice %arg7[%dma_start3A_235, %dma_start3A_236, %dma_start3A_237] : memref<2x160x128xf32, #tpu.memory_space<vmem>> -> memref<1x160x128xf32, #tpu.memory_space<vmem>>
          %dma_start3A_239 = tpu.memref_squeeze %dma_start3A_238 : memref<1x160x128xf32, #tpu.memory_space<vmem>> -> memref<160x128xf32, #tpu.memory_space<vmem>>
          %dma_start3A_240 = tpu.memref_slice %arg5[%mul3A_234] : memref<6400xi32, #tpu.memory_space<vmem>> -> memref<160xi32, #tpu.memory_space<vmem>>
          %dma_start3A_241 = arith.constant 0 : i32
          %dma_start3A_242 = arith.constant 0 : i32
          %dma_start3A_243 = tpu.memref_slice %arg2[%dma_start3A_241, %dma_start3A_242] : memref<100000x128xf32, #tpu.memory_space<hbm>> -> memref<100000x128xf32, #tpu.memory_space<hbm>>
          tpu.enqueue_indirect_dma source(%dma_start3A_243 : memref<100000x128xf32, #tpu.memory_space<hbm>>) target(%dma_start3A_239 : memref<160x128xf32, #tpu.memory_space<vmem>>) offsets(%dma_start3A_240 : memref<160xi32, #tpu.memory_space<vmem>>) semaphore(%arg10 : memref<!tpu.dma_semaphore, #tpu.memory_space<semaphore_mem>>)
          %mul3A_244 = arith.constant 320 : i32
          %mul3A_245 = arith.muli %add3A_232, %mul3A_244 : i32
          %add3A_246 = arith.constant 160 : i32
          %add3A_247 = arith.addi %mul3A_245, %add3A_246 : i32
          %dma_start3A_248 = arith.constant 1 : i32
          %dma_start3A_249 = arith.constant 0 : i32
          %dma_start3A_250 = arith.constant 0 : i32
          %dma_start3A_251 = tpu.memref_slice %arg7[%dma_start3A_248, %dma_start3A_249, %dma_start3A_250] : memref<2x160x128xf32, #tpu.memory_space<vmem>> -> memref<1x160x128xf32, #tpu.memory_space<vmem>>
          %dma_start3A_252 = tpu.memref_squeeze %dma_start3A_251 : memref<1x160x128xf32, #tpu.memory_space<vmem>> -> memref<160x128xf32, #tpu.memory_space<vmem>>
          %dma_start3A_253 = tpu.memref_slice %arg5[%add3A_247] : memref<6400xi32, #tpu.memory_space<vmem>> -> memref<160xi32, #tpu.memory_space<vmem>>
          %dma_start3A_254 = arith.constant 0 : i32
          %dma_start3A_255 = arith.constant 0 : i32
          %dma_start3A_256 = tpu.memref_slice %arg2[%dma_start3A_254, %dma_start3A_255] : memref<100000x128xf32, #tpu.memory_space<hbm>> -> memref<100000x128xf32, #tpu.memory_space<hbm>>
          tpu.enqueue_indirect_dma source(%dma_start3A_256 : memref<100000x128xf32, #tpu.memory_space<hbm>>) target(%dma_start3A_252 : memref<160x128xf32, #tpu.memory_space<vmem>>) offsets(%dma_start3A_253 : memref<160xi32, #tpu.memory_space<vmem>>) semaphore(%arg10 : memref<!tpu.dma_semaphore, #tpu.memory_space<semaphore_mem>>)
        } else {
        }
        %mul3A_169 = arith.constant 320 : i32
        %mul3A_170 = arith.muli %scan3A_143, %mul3A_169 : i32
        %dma_wait3A_171 = arith.constant 0 : i32
        %dma_wait3A_172 = arith.constant 0 : i32
        %dma_wait3A_173 = arith.constant 0 : i32
        %dma_wait3A_174 = tpu.memref_slice %arg8[%dma_wait3A_171, %dma_wait3A_172, %dma_wait3A_173] : memref<2x160x128xf32, #tpu.memory_space<vmem>> -> memref<1x160x128xf32, #tpu.memory_space<vmem>>
        %dma_wait3A_175 = tpu.memref_squeeze %dma_wait3A_174 : memref<1x160x128xf32, #tpu.memory_space<vmem>> -> memref<160x128xf32, #tpu.memory_space<vmem>>
        %dma_wait3A_176 = tpu.memref_slice %arg5[%mul3A_170] : memref<6400xi32, #tpu.memory_space<vmem>> -> memref<160xi32, #tpu.memory_space<vmem>>
        %dma_wait3A_177 = arith.constant 0 : i32
        %dma_wait3A_178 = arith.constant 0 : i32
        %dma_wait3A_179 = tpu.memref_slice %arg2[%dma_wait3A_177, %dma_wait3A_178] : memref<100000x128xf32, #tpu.memory_space<hbm>> -> memref<100000x128xf32, #tpu.memory_space<hbm>>
        tpu.wait_indirect_dma semaphore(%arg11 : memref<!tpu.dma_semaphore, #tpu.memory_space<semaphore_mem>>) src(%dma_wait3A_179 : memref<100000x128xf32, #tpu.memory_space<hbm>>) dst(%dma_wait3A_175 : memref<160x128xf32, #tpu.memory_space<vmem>>)
        %mul3A_180 = arith.constant 320 : i32
        %mul3A_181 = arith.muli %scan3A_143, %mul3A_180 : i32
        %add3A_182 = arith.constant 160 : i32
        %add3A_183 = arith.addi %mul3A_181, %add3A_182 : i32
        %dma_wait3A_184 = arith.constant 1 : i32
        %dma_wait3A_185 = arith.constant 0 : i32
        %dma_wait3A_186 = arith.constant 0 : i32
        %dma_wait3A_187 = tpu.memref_slice %arg8[%dma_wait3A_184, %dma_wait3A_185, %dma_wait3A_186] : memref<2x160x128xf32, #tpu.memory_space<vmem>> -> memref<1x160x128xf32, #tpu.memory_space<vmem>>
        %dma_wait3A_188 = tpu.memref_squeeze %dma_wait3A_187 : memref<1x160x128xf32, #tpu.memory_space<vmem>> -> memref<160x128xf32, #tpu.memory_space<vmem>>
        %dma_wait3A_189 = tpu.memref_slice %arg5[%add3A_183] : memref<6400xi32, #tpu.memory_space<vmem>> -> memref<160xi32, #tpu.memory_space<vmem>>
        %dma_wait3A_190 = arith.constant 0 : i32
        %dma_wait3A_191 = arith.constant 0 : i32
        %dma_wait3A_192 = tpu.memref_slice %arg2[%dma_wait3A_190, %dma_wait3A_191] : memref<100000x128xf32, #tpu.memory_space<hbm>> -> memref<100000x128xf32, #tpu.memory_space<hbm>>
        tpu.wait_indirect_dma semaphore(%arg11 : memref<!tpu.dma_semaphore, #tpu.memory_space<semaphore_mem>>) src(%dma_wait3A_192 : memref<100000x128xf32, #tpu.memory_space<hbm>>) dst(%dma_wait3A_188 : memref<160x128xf32, #tpu.memory_space<vmem>>)
        %mul3A_193 = arith.constant 320 : i32
        %mul3A_194 = arith.muli %scan3A_143, %mul3A_193 : i32
        %add3A_195 = arith.addi %mul3A_2, %mul3A_194 : i32
        %dma_start3A_196 = arith.constant 0 : i32
        %dma_start3A_197 = arith.constant 0 : i32
        %dma_start3A_198 = arith.constant 0 : i32
        %dma_start3A_199 = tpu.memref_slice %arg8[%dma_start3A_196, %dma_start3A_197, %dma_start3A_198] : memref<2x160x128xf32, #tpu.memory_space<vmem>> -> memref<1x160x128xf32, #tpu.memory_space<vmem>>
        %dma_start3A_200 = tpu.memref_squeeze %dma_start3A_199 : memref<1x160x128xf32, #tpu.memory_space<vmem>> -> memref<160x128xf32, #tpu.memory_space<vmem>>
        %dma_start3A_201 = arith.constant 0 : i32
        %dma_start3A_202 = tpu.memref_slice %arg4[%add3A_195, %dma_start3A_201] : memref<204800x128xf32, #tpu.memory_space<hbm>> -> memref<160x128xf32, #tpu.memory_space<hbm>>
        %dma_start3A_203 = arith.constant 0 : i32
        %dma_start3A_204 = tpu.memref_slice %arg4[%add3A_195, %dma_start3A_203] : memref<204800x128xf32, #tpu.memory_space<hbm>> -> memref<160x128xf32, #tpu.memory_space<hbm>>
        %dma_start3A_205 = arith.constant 0 : i32
        %dma_start3A_206 = arith.constant 0 : i32
        %dma_start3A_207 = tpu.memref_slice %arg8[%dma_start3A_196, %dma_start3A_205, %dma_start3A_206] : memref<2x160x128xf32, #tpu.memory_space<vmem>> -> memref<1x160x128xf32, #tpu.memory_space<vmem>>
        %dma_start3A_208 = tpu.memref_squeeze %dma_start3A_207 : memref<1x160x128xf32, #tpu.memory_space<vmem>> -> memref<160x128xf32, #tpu.memory_space<vmem>>
        tpu.enqueue_dma source(%dma_start3A_208 : memref<160x128xf32, #tpu.memory_space<vmem>>) target(%dma_start3A_204 : memref<160x128xf32, #tpu.memory_space<hbm>>) target_semaphore(%arg14 : memref<!tpu.dma_semaphore, #tpu.memory_space<semaphore_mem>>)
        %mul3A_209 = arith.constant 320 : i32
        %mul3A_210 = arith.muli %scan3A_143, %mul3A_209 : i32
        %add3A_211 = arith.addi %mul3A_2, %mul3A_210 : i32
        %add3A_212 = arith.constant 160 : i32
        %add3A_213 = arith.addi %add3A_211, %add3A_212 : i32
        %dma_start3A_214 = arith.constant 1 : i32
        %dma_start3A_215 = arith.constant 0 : i32
        %dma_start3A_216 = arith.constant 0 : i32
        %dma_start3A_217 = tpu.memref_slice %arg8[%dma_start3A_214, %dma_start3A_215, %dma_start3A_216] : memref<2x160x128xf32, #tpu.memory_space<vmem>> -> memref<1x160x128xf32, #tpu.memory_space<vmem>>
        %dma_start3A_218 = tpu.memref_squeeze %dma_start3A_217 : memref<1x160x128xf32, #tpu.memory_space<vmem>> -> memref<160x128xf32, #tpu.memory_space<vmem>>
        %dma_start3A_219 = arith.constant 0 : i32
        %dma_start3A_220 = tpu.memref_slice %arg4[%add3A_213, %dma_start3A_219] : memref<204800x128xf32, #tpu.memory_space<hbm>> -> memref<160x128xf32, #tpu.memory_space<hbm>>
        %dma_start3A_221 = arith.constant 0 : i32
        %dma_start3A_222 = tpu.memref_slice %arg4[%add3A_213, %dma_start3A_221] : memref<204800x128xf32, #tpu.memory_space<hbm>> -> memref<160x128xf32, #tpu.memory_space<hbm>>
        %dma_start3A_223 = arith.constant 0 : i32
        %dma_start3A_224 = arith.constant 0 : i32
        %dma_start3A_225 = tpu.memref_slice %arg8[%dma_start3A_214, %dma_start3A_223, %dma_start3A_224] : memref<2x160x128xf32, #tpu.memory_space<vmem>> -> memref<1x160x128xf32, #tpu.memory_space<vmem>>
        %dma_start3A_226 = tpu.memref_squeeze %dma_start3A_225 : memref<1x160x128xf32, #tpu.memory_space<vmem>> -> memref<160x128xf32, #tpu.memory_space<vmem>>
        tpu.enqueue_dma source(%dma_start3A_226 : memref<160x128xf32, #tpu.memory_space<vmem>>) target(%dma_start3A_222 : memref<160x128xf32, #tpu.memory_space<hbm>>) target_semaphore(%arg14 : memref<!tpu.dma_semaphore, #tpu.memory_space<semaphore_mem>>)
      } else {
      }
      %scan3A_162 = arith.constant 0 : i32
      scf.yield %scan3A_162 : i32
    }
    %scan3A_47 = arith.constant 20 : i32
    %add3A_48 = arith.constant 5440 : i32
    %add3A_49 = arith.addi %mul3A_2, %add3A_48 : i32
    %dma_wait3A = arith.constant 0 : i32
    %dma_wait3A_50 = arith.constant 0 : i32
    %dma_wait3A_51 = arith.constant 0 : i32
    %dma_wait3A_52 = tpu.memref_slice %arg8[%dma_wait3A, %dma_wait3A_50, %dma_wait3A_51] : memref<2x160x128xf32, #tpu.memory_space<vmem>> -> memref<1x160x128xf32, #tpu.memory_space<vmem>>
    %dma_wait3A_53 = tpu.memref_squeeze %dma_wait3A_52 : memref<1x160x128xf32, #tpu.memory_space<vmem>> -> memref<160x128xf32, #tpu.memory_space<vmem>>
    %dma_wait3A_54 = arith.constant 0 : i32
    %dma_wait3A_55 = tpu.memref_slice %arg4[%add3A_49, %dma_wait3A_54] : memref<204800x128xf32, #tpu.memory_space<hbm>> -> memref<160x128xf32, #tpu.memory_space<hbm>>
    %dma_wait3A_56 = arith.constant 0 : i32
    %dma_wait3A_57 = tpu.memref_slice %arg4[%add3A_49, %dma_wait3A_56] : memref<204800x128xf32, #tpu.memory_space<hbm>> -> memref<160x128xf32, #tpu.memory_space<hbm>>
    %dma_wait3A_58 = arith.constant 0 : i32
    %dma_wait3A_59 = arith.constant 0 : i32
    %dma_wait3A_60 = tpu.memref_slice %arg8[%dma_wait3A, %dma_wait3A_58, %dma_wait3A_59] : memref<2x160x128xf32, #tpu.memory_space<vmem>> -> memref<1x160x128xf32, #tpu.memory_space<vmem>>
    %dma_wait3A_61 = tpu.memref_squeeze %dma_wait3A_60 : memref<1x160x128xf32, #tpu.memory_space<vmem>> -> memref<160x128xf32, #tpu.memory_space<vmem>>
    tpu.wait_dma2 semaphore(%arg14 : memref<!tpu.dma_semaphore, #tpu.memory_space<semaphore_mem>>) src(%dma_wait3A_61 : memref<160x128xf32, #tpu.memory_space<vmem>>) dst(%dma_wait3A_57 : memref<160x128xf32, #tpu.memory_space<hbm>>)
    %add3A_62 = arith.constant 5440 : i32
    %add3A_63 = arith.addi %mul3A_2, %add3A_62 : i32
    %add3A_64 = arith.constant 160 : i32
    %add3A_65 = arith.addi %add3A_63, %add3A_64 : i32
    %dma_wait3A_66 = arith.constant 1 : i32
    %dma_wait3A_67 = arith.constant 0 : i32
    %dma_wait3A_68 = arith.constant 0 : i32
    %dma_wait3A_69 = tpu.memref_slice %arg8[%dma_wait3A_66, %dma_wait3A_67, %dma_wait3A_68] : memref<2x160x128xf32, #tpu.memory_space<vmem>> -> memref<1x160x128xf32, #tpu.memory_space<vmem>>
    %dma_wait3A_70 = tpu.memref_squeeze %dma_wait3A_69 : memref<1x160x128xf32, #tpu.memory_space<vmem>> -> memref<160x128xf32, #tpu.memory_space<vmem>>
    %dma_wait3A_71 = arith.constant 0 : i32
    %dma_wait3A_72 = tpu.memref_slice %arg4[%add3A_65, %dma_wait3A_71] : memref<204800x128xf32, #tpu.memory_space<hbm>> -> memref<160x128xf32, #tpu.memory_space<hbm>>
    %dma_wait3A_73 = arith.constant 0 : i32
    %dma_wait3A_74 = tpu.memref_slice %arg4[%add3A_65, %dma_wait3A_73] : memref<204800x128xf32, #tpu.memory_space<hbm>> -> memref<160x128xf32, #tpu.memory_space<hbm>>
    %dma_wait3A_75 = arith.constant 0 : i32
    %dma_wait3A_76 = arith.constant 0 : i32
    %dma_wait3A_77 = tpu.memref_slice %arg8[%dma_wait3A_66, %dma_wait3A_75, %dma_wait3A_76] : memref<2x160x128xf32, #tpu.memory_space<vmem>> -> memref<1x160x128xf32, #tpu.memory_space<vmem>>
    %dma_wait3A_78 = tpu.memref_squeeze %dma_wait3A_77 : memref<1x160x128xf32, #tpu.memory_space<vmem>> -> memref<160x128xf32, #tpu.memory_space<vmem>>
    tpu.wait_dma2 semaphore(%arg14 : memref<!tpu.dma_semaphore, #tpu.memory_space<semaphore_mem>>) src(%dma_wait3A_78 : memref<160x128xf32, #tpu.memory_space<vmem>>) dst(%dma_wait3A_74 : memref<160x128xf32, #tpu.memory_space<hbm>>)
    %add3A_79 = arith.constant 5760 : i32
    %add3A_80 = arith.addi %mul3A_2, %add3A_79 : i32
    %dma_wait3A_81 = arith.constant 0 : i32
    %dma_wait3A_82 = arith.constant 0 : i32
    %dma_wait3A_83 = arith.constant 0 : i32
    %dma_wait3A_84 = tpu.memref_slice %arg6[%dma_wait3A_81, %dma_wait3A_82, %dma_wait3A_83] : memref<2x160x128xf32, #tpu.memory_space<vmem>> -> memref<1x160x128xf32, #tpu.memory_space<vmem>>
    %dma_wait3A_85 = tpu.memref_squeeze %dma_wait3A_84 : memref<1x160x128xf32, #tpu.memory_space<vmem>> -> memref<160x128xf32, #tpu.memory_space<vmem>>
    %dma_wait3A_86 = arith.constant 0 : i32
    %dma_wait3A_87 = tpu.memref_slice %arg4[%add3A_80, %dma_wait3A_86] : memref<204800x128xf32, #tpu.memory_space<hbm>> -> memref<160x128xf32, #tpu.memory_space<hbm>>
    %dma_wait3A_88 = arith.constant 0 : i32
    %dma_wait3A_89 = tpu.memref_slice %arg4[%add3A_80, %dma_wait3A_88] : memref<204800x128xf32, #tpu.memory_space<hbm>> -> memref<160x128xf32, #tpu.memory_space<hbm>>
    %dma_wait3A_90 = arith.constant 0 : i32
    %dma_wait3A_91 = arith.constant 0 : i32
    %dma_wait3A_92 = tpu.memref_slice %arg6[%dma_wait3A_81, %dma_wait3A_90, %dma_wait3A_91] : memref<2x160x128xf32, #tpu.memory_space<vmem>> -> memref<1x160x128xf32, #tpu.memory_space<vmem>>
    %dma_wait3A_93 = tpu.memref_squeeze %dma_wait3A_92 : memref<1x160x128xf32, #tpu.memory_space<vmem>> -> memref<160x128xf32, #tpu.memory_space<vmem>>
    tpu.wait_dma2 semaphore(%arg12 : memref<!tpu.dma_semaphore, #tpu.memory_space<semaphore_mem>>) src(%dma_wait3A_93 : memref<160x128xf32, #tpu.memory_space<vmem>>) dst(%dma_wait3A_89 : memref<160x128xf32, #tpu.memory_space<hbm>>)
    %add3A_94 = arith.constant 5760 : i32
    %add3A_95 = arith.addi %mul3A_2, %add3A_94 : i32
    %add3A_96 = arith.constant 160 : i32
    %add3A_97 = arith.addi %add3A_95, %add3A_96 : i32
    %dma_wait3A_98 = arith.constant 1 : i32
    %dma_wait3A_99 = arith.constant 0 : i32
    %dma_wait3A_100 = arith.constant 0 : i32
    %dma_wait3A_101 = tpu.memref_slice %arg6[%dma_wait3A_98, %dma_wait3A_99, %dma_wait3A_100] : memref<2x160x128xf32, #tpu.memory_space<vmem>> -> memref<1x160x128xf32, #tpu.memory_space<vmem>>
    %dma_wait3A_102 = tpu.memref_squeeze %dma_wait3A_101 : memref<1x160x128xf32, #tpu.memory_space<vmem>> -> memref<160x128xf32, #tpu.memory_space<vmem>>
    %dma_wait3A_103 = arith.constant 0 : i32
    %dma_wait3A_104 = tpu.memref_slice %arg4[%add3A_97, %dma_wait3A_103] : memref<204800x128xf32, #tpu.memory_space<hbm>> -> memref<160x128xf32, #tpu.memory_space<hbm>>
    %dma_wait3A_105 = arith.constant 0 : i32
    %dma_wait3A_106 = tpu.memref_slice %arg4[%add3A_97, %dma_wait3A_105] : memref<204800x128xf32, #tpu.memory_space<hbm>> -> memref<160x128xf32, #tpu.memory_space<hbm>>
    %dma_wait3A_107 = arith.constant 0 : i32
    %dma_wait3A_108 = arith.constant 0 : i32
    %dma_wait3A_109 = tpu.memref_slice %arg6[%dma_wait3A_98, %dma_wait3A_107, %dma_wait3A_108] : memref<2x160x128xf32, #tpu.memory_space<vmem>> -> memref<1x160x128xf32, #tpu.memory_space<vmem>>
    %dma_wait3A_110 = tpu.memref_squeeze %dma_wait3A_109 : memref<1x160x128xf32, #tpu.memory_space<vmem>> -> memref<160x128xf32, #tpu.memory_space<vmem>>
    tpu.wait_dma2 semaphore(%arg12 : memref<!tpu.dma_semaphore, #tpu.memory_space<semaphore_mem>>) src(%dma_wait3A_110 : memref<160x128xf32, #tpu.memory_space<vmem>>) dst(%dma_wait3A_106 : memref<160x128xf32, #tpu.memory_space<hbm>>)
    %add3A_111 = arith.constant 6080 : i32
    %add3A_112 = arith.addi %mul3A_2, %add3A_111 : i32
    %dma_wait3A_113 = arith.constant 0 : i32
    %dma_wait3A_114 = arith.constant 0 : i32
    %dma_wait3A_115 = arith.constant 0 : i32
    %dma_wait3A_116 = tpu.memref_slice %arg7[%dma_wait3A_113, %dma_wait3A_114, %dma_wait3A_115] : memref<2x160x128xf32, #tpu.memory_space<vmem>> -> memref<1x160x128xf32, #tpu.memory_space<vmem>>
    %dma_wait3A_117 = tpu.memref_squeeze %dma_wait3A_116 : memref<1x160x128xf32, #tpu.memory_space<vmem>> -> memref<160x128xf32, #tpu.memory_space<vmem>>
    %dma_wait3A_118 = arith.constant 0 : i32
    %dma_wait3A_119 = tpu.memref_slice %arg4[%add3A_112, %dma_wait3A_118] : memref<204800x128xf32, #tpu.memory_space<hbm>> -> memref<160x128xf32, #tpu.memory_space<hbm>>
    %dma_wait3A_120 = arith.constant 0 : i32
    %dma_wait3A_121 = tpu.memref_slice %arg4[%add3A_112, %dma_wait3A_120] : memref<204800x128xf32, #tpu.memory_space<hbm>> -> memref<160x128xf32, #tpu.memory_space<hbm>>
    %dma_wait3A_122 = arith.constant 0 : i32
    %dma_wait3A_123 = arith.constant 0 : i32
    %dma_wait3A_124 = tpu.memref_slice %arg7[%dma_wait3A_113, %dma_wait3A_122, %dma_wait3A_123] : memref<2x160x128xf32, #tpu.memory_space<vmem>> -> memref<1x160x128xf32, #tpu.memory_space<vmem>>
    %dma_wait3A_125 = tpu.memref_squeeze %dma_wait3A_124 : memref<1x160x128xf32, #tpu.memory_space<vmem>> -> memref<160x128xf32, #tpu.memory_space<vmem>>
    tpu.wait_dma2 semaphore(%arg13 : memref<!tpu.dma_semaphore, #tpu.memory_space<semaphore_mem>>) src(%dma_wait3A_125 : memref<160x128xf32, #tpu.memory_space<vmem>>) dst(%dma_wait3A_121 : memref<160x128xf32, #tpu.memory_space<hbm>>)
    %add3A_126 = arith.constant 6080 : i32
    %add3A_127 = arith.addi %mul3A_2, %add3A_126 : i32
    %add3A_128 = arith.constant 160 : i32
    %add3A_129 = arith.addi %add3A_127, %add3A_128 : i32
    %dma_wait3A_130 = arith.constant 1 : i32
    %dma_wait3A_131 = arith.constant 0 : i32
    %dma_wait3A_132 = arith.constant 0 : i32
    %dma_wait3A_133 = tpu.memref_slice %arg7[%dma_wait3A_130, %dma_wait3A_131, %dma_wait3A_132] : memref<2x160x128xf32, #tpu.memory_space<vmem>> -> memref<1x160x128xf32, #tpu.memory_space<vmem>>
    %dma_wait3A_134 = tpu.memref_squeeze %dma_wait3A_133 : memref<1x160x128xf32, #tpu.memory_space<vmem>> -> memref<160x128xf32, #tpu.memory_space<vmem>>
    %dma_wait3A_135 = arith.constant 0 : i32
    %dma_wait3A_136 = tpu.memref_slice %arg4[%add3A_129, %dma_wait3A_135] : memref<204800x128xf32, #tpu.memory_space<hbm>> -> memref<160x128xf32, #tpu.memory_space<hbm>>
    %dma_wait3A_137 = arith.constant 0 : i32
    %dma_wait3A_138 = tpu.memref_slice %arg4[%add3A_129, %dma_wait3A_137] : memref<204800x128xf32, #tpu.memory_space<hbm>> -> memref<160x128xf32, #tpu.memory_space<hbm>>
    %dma_wait3A_139 = arith.constant 0 : i32
    %dma_wait3A_140 = arith.constant 0 : i32
    %dma_wait3A_141 = tpu.memref_slice %arg7[%dma_wait3A_130, %dma_wait3A_139, %dma_wait3A_140] : memref<2x160x128xf32, #tpu.memory_space<vmem>> -> memref<1x160x128xf32, #tpu.memory_space<vmem>>
    %dma_wait3A_142 = tpu.memref_squeeze %dma_wait3A_141 : memref<1x160x128xf32, #tpu.memory_space<vmem>> -> memref<160x128xf32, #tpu.memory_space<vmem>>
    tpu.wait_dma2 semaphore(%arg13 : memref<!tpu.dma_semaphore, #tpu.memory_space<semaphore_mem>>) src(%dma_wait3A_142 : memref<160x128xf32, #tpu.memory_space<vmem>>) dst(%dma_wait3A_138 : memref<160x128xf32, #tpu.memory_space<hbm>>)
    return
  }
}

module attributes {stable_mosaic.version = 14 : i64} {
  func.func @_mm_body(%arg0: i32, %arg1: memref<64x12800xf32, #tpu.memory_space<vmem>>, %arg2: memref<64x128xf32, #tpu.memory_space<vmem>>, %arg3: memref<12800x128xf32, #tpu.memory_space<vmem>>) attributes {dimension_semantics = [#tpu.dimension_semantics<arbitrary>], iteration_bounds = array<i64: 8>, scalar_prefetch = 0 : i64, scratch_operands = 0 : i64, tpu.core_type = #tpu.core_type<tc>, window_params = [{transform_indices = @transform_0, window_bounds = array<i64: 64, 12800>}, {pipeline_mode = #tpu.pipeline_mode<synchronous>, transform_indices = @transform_1, window_bounds = array<i64: 64, 128>}, {transform_indices = @transform_2, window_bounds = array<i64: 12800, 128>}]} {
    %get3A = arith.constant 0 : index
    %get3A_0 = arith.constant 0 : index
    %get3A_1 = vector.load %arg1[%get3A, %get3A_0] : memref<64x12800xf32, #tpu.memory_space<vmem>>, vector<64x12800xf32>
    %get3A_2 = arith.constant 0 : index
    %get3A_3 = arith.constant 0 : index
    %get3A_4 = vector.load %arg2[%get3A_2, %get3A_3] : memref<64x128xf32, #tpu.memory_space<vmem>>, vector<64x128xf32>
    %dot_general3A = arith.constant dense<0.000000e+00> : vector<12800x128xf32>
    %dot_general3A_5 = tpu.matmul %get3A_1, %get3A_4, %dot_general3A {dimension_numbers = #tpu.dot_dimension_numbers<[0], [0], [1], [1], [0, 1, 1, 1], [], []>, transpose_lhs_hint = false} : vector<64x12800xf32>, vector<64x128xf32>, vector<12800x128xf32> -> vector<12800x128xf32>
    %swap3A = arith.constant 0 : index
    %swap3A_6 = arith.constant 0 : index
    %swap3A_7 = vector.load %arg3[%swap3A, %swap3A_6] : memref<12800x128xf32, #tpu.memory_space<vmem>>, vector<12800x128xf32>
    tpu.vector_store %arg3[%swap3A, %swap3A_6], %dot_general3A_5 {strides = array<i32>} : memref<12800x128xf32, #tpu.memory_space<vmem>>, vector<12800x128xf32>,
    return
  }
  func.func @transform_0(%arg0: i32) -> (i32, i32) {
    %c0_i32 = arith.constant 0 : i32
    %c0_i32_0 = arith.constant 0 : i32
    return %c0_i32, %arg0 : i32, i32
  }
  func.func @transform_1(%arg0: i32) -> (i32, i32) {
    %c0_i32 = arith.constant 0 : i32
    %c0_i32_0 = arith.constant 0 : i32
    %c0_i32_1 = arith.constant 0 : i32
    return %c0_i32, %c0_i32_0 : i32, i32
  }
  func.func @transform_2(%arg0: i32) -> (i32, i32) {
    %c0_i32 = arith.constant 0 : i32
    %c0_i32_0 = arith.constant 0 : i32
    return %arg0, %c0_i32 : i32, i32
  }
}

</mosaic_0001>

<sc_bundles>
// kernel: kernel.4.cloned.1.call-start
scs
__scs_entry_jumppad:
0x0: {  	(pc) =	sbr.rel $0x88, $3  }
0x1: {  	(tag) =	ssettag $0x0;
	lr =	simm.s32 $0x1  }
0x2: {  	[smem:$0x3F9E] =	sst lr;
	_ =	strace $0xD0000000  }
0x3: {  	_ = 	snop  }
0x4: {  	_ = 	snop  }
0x5: {  	_ = 	snop  }
0x6: {  	_ = 	snop  }
0x7: {  	_ = 	snop  }
__scs_overlays_trampoline_lowered:
0x8: {  	[smem:$0x3FAD] =	sst s0  }
0x9: {  	[smem:$0x3FAE] =	sst s1  }
0xa: {  	[smem:$0x3FAF] =	sst s2  }
0xb: {  	[smem:$0x3FB0] =	sst s3  }
0xc: {  	[smem:$0x3FB1] =	sst s4  }
0xd: {  	[smem:$0x3FB2] =	sst s5  }
0xe: {  	[smem:$0x3FB3] =	sst s6  }
0xf: {  	[smem:$0x3FB4] =	sst s7  }
0x10: {  	[smem:$0x3FB5] =	sst s8  }
0x11: {  	[smem:$0x3FB6] =	sst s9;
	s0 =	simm.s32 @!p0 $0x0  }
0x12: {  	s1 =	sld [smem:$0x3F9C];
	s0 =	simm.s32 @p0 $0x1  }
0x13: {  	[smem:$0x3FB7] =	sst s0;
	s0 =	simm.s32 @!p1 $0x0  }
0x14: {  	s2 =	sld [smem:$0x3F9B];
	s0 =	simm.s32 @p1 $0x1  }
0x15: {  	[smem:$0x3FB8] =	sst s0;
	s0 =	simm.s32 @!p2 $0x0  }
0x16: {  	s3 =	sld [smem:$0x3FDB];
	s0 =	simm.s32 @p2 $0x1  }
0x17: {  	s4 =	simm.s32 $0x1BF5;
	[smem:$0x3FBA] =	sst s0  }
0x18: {  	s0 =	sld [smem:$0x3F9D];
	_ =	swait.ge [sflag:s4], $0x0  }
0x19: {  	s7 =	sld [smem:$0x3F9E]  }
0x1a: {  	s8 =	sadd.s32 $0xFFFFE003, lr  }
0x1b: {  	s9 =	sadd.s32 $0xFFFFFEF7, lr;
	s5 =	simm.s32 $0xFFFFFFFF;
	p2 =	slt.u32 s8, $0xFFFFF086  }
0x1c: {  	p1 =	slt.u32 s9, $0xF7A;
	s5 =	simm.s32 @!p2 $0x0  }
0x1d: {  	s5 =	simm.s32 @p1 $0x1;
	p0 =	seq.s32 s7, s2  }
0x1e: {  	s7 =	smul.u32 @!p0 $0xF7A, s2;
	p2 =	seq.s32 @!p0 s5, $0x0  }
0x1f: {  	s9 =	smul.u32 $0xF7A, s1;
	s8 =	simm.s32 @!p0 $0x1BF5;
	p2 =	por !p2, p0  }
0x20: {  	[sflag:s8] =	ssyncset.s32 @!p0 $0xFFFFF086;
	s6 =	sadd.s32 @!p0 s3, s7;
	s7 =	simm.s32 @!p0 $0x108  }
0x21: {  	s3 =	sadd.s32 s3, s9;
	s6 =	sadd.s32 @!p0 $0x88, s6;
	s7 =	simm.s32 @p2 $0x1082  }
0x22: {  	[simem:s7], [sflag:s8] =	dma.local @!p0 [hbm:s6], $0xF7A  }
0x23: {  	s9 =	sor.u32 $0xD0000000, s2;
	s6 =	simm.s32 $0x108;
	_ =	swait.ge @!p0 [sflag:s8], $0x0  }
0x24: {  	s3 =	sadd.s32 $0x88, s3;
	s6 =	simm.s32 @!p1 $0x1082;
	[sflag:s4] =	ssyncset.s32 $0xFFFFF086  }
0x25: {  	[simem:s6], [sflag:s4] =	dma.local [hbm:s3], $0xF7A  }
0x26: {  	[smem:$0x3F9E] =	sst s1;
	(tag) =	ssettag s2;
	_ =	strace s9  }
0x27: {  	s1 =	sld [smem:$0x3FAE]  }
0x28: {  	s2 =	sld [smem:$0x3FAF]  }
0x29: {  	s4 =	sld [smem:$0x3FB1]  }
0x2a: {  	p0 =	seq.s32 s5, $0x0;
	s5 =	sld [smem:$0x3FB2]  }
0x2b: {  	s6 =	sld [smem:$0x3FB3]  }
0x2c: {  	s7 =	sld [smem:$0x3FB4]  }
0x2d: {  	s3 =	simm.s32 $0x108;
	s8 =	sld [smem:$0x3FB5]  }
0x2e: {  	s3 =	simm.s32 @!p0 $0x1082;
	s9 =	sld [smem:$0x3FB6]  }
0x2f: {  	lr =	sadd.s32 s0, s3;
	s0 =	sld [smem:$0x3FAD]  }
0x30: {  	s3 =	sld [smem:$0x3FB0]  }
0x31: {  	[smem:$0x3FB9] =	sst s10  }
0x32: {  	s10 =	sld [smem:$0x3FB7];
	_ =	sdelay $0x3  }
0x33: {  	p0 =	seq.s32 s10, $0x1;
	s10 =	sld [smem:$0x3FB9];
	_ =	sdelay $0x3  }
0x34: {  	[smem:$0x3FB9] =	sst s10  }
0x35: {  	s10 =	sld [smem:$0x3FB8];
	_ =	sdelay $0x3  }
0x36: {  	p1 =	seq.s32 s10, $0x1;
	s10 =	sld [smem:$0x3FB9];
	_ =	sdelay $0x3  }
0x37: {  	[smem:$0x3FB9] =	sst s10  }
0x38: {  	s10 =	sld [smem:$0x3FBA]  }
0x39: {  	_ = 	snop;
	(pc) =	sbr.ind lr, $3  }
0x3a: {  	_ = 	snop  }
0x3b: {  	_ = 	snop  }
0x3c: {  	p2 =	seq.s32 s10, $0x1;
	s10 =	sld [smem:$0x3FB9]  }
0x3d: {  	_ =	shalt  }
0x3e: {  	_ =	shalt  }
0x3f: {  	_ =	shalt  }
0x40: {  	_ =	shalt  }
0x41: {  	_ =	shalt  }
0x42: {  	_ =	shalt  }
0x43: {  	_ =	shalt  }
0x44: {  	_ =	shalt  }
0x45: {  	_ =	shalt  }
0x46: {  	_ =	shalt  }
0x47: {  	_ =	shalt  }
0x48: {  	_ =	shalt  }
0x49: {  	_ =	shalt  }
0x4a: {  	_ =	shalt  }
0x4b: {  	_ =	shalt  }
0x4c: {  	_ =	shalt  }
0x4d: {  	_ =	shalt  }
0x4e: {  	_ =	shalt  }
0x4f: {  	_ =	shalt  }
0x50: {  	_ =	shalt  }
0x51: {  	_ =	shalt  }
0x52: {  	_ =	shalt  }
0x53: {  	_ =	shalt  }
0x54: {  	_ =	shalt  }
0x55: {  	_ =	shalt  }
0x56: {  	_ =	shalt  }
0x57: {  	_ =	shalt  }
0x58: {  	_ =	shalt  }
0x59: {  	_ =	shalt  }
0x5a: {  	_ =	shalt  }
0x5b: {  	_ =	shalt  }
0x5c: {  	_ =	shalt  }
0x5d: {  	_ =	shalt  }
0x5e: {  	_ =	shalt  }
0x5f: {  	_ =	shalt  }
0x60: {  	_ =	shalt  }
0x61: {  	_ =	shalt  }
0x62: {  	_ =	shalt  }
0x63: {  	_ =	shalt  }
0x64: {  	_ =	shalt  }
0x65: {  	_ =	shalt  }
0x66: {  	_ =	shalt  }
0x67: {  	_ =	shalt  }
0x68: {  	_ =	shalt  }
0x69: {  	_ =	shalt  }
0x6a: {  	_ =	shalt  }
0x6b: {  	_ =	shalt  }
0x6c: {  	_ =	shalt  }
0x6d: {  	_ =	shalt  }
0x6e: {  	_ =	shalt  }
0x6f: {  	_ =	shalt  }
0x70: {  	_ =	shalt  }
0x71: {  	_ =	shalt  }
0x72: {  	_ =	shalt  }
0x73: {  	_ =	shalt  }
0x74: {  	_ =	shalt  }
0x75: {  	_ =	shalt  }
0x76: {  	_ =	shalt  }
0x77: {  	_ =	shalt  }
0x78: {  	_ =	shalt  }
0x79: {  	_ =	shalt  }
0x7a: {  	_ =	shalt  }
0x7b: {  	_ =	shalt  }
0x7c: {  	_ =	shalt  }
0x7d: {  	_ =	shalt  }
0x7e: {  	_ =	shalt  }
0x7f: {  	_ =	shalt  }
0x80: {  	_ =	shalt  }
0x81: {  	_ =	shalt  }
0x82: {  	_ =	shalt  }
0x83: {  	_ =	shalt  }
0x84: {  	_ =	shalt  }
0x85: {  	_ =	shalt  }
0x86: {  	_ =	shalt  }
0x87: {  	_ =	shalt  }
.Lfunc_end0:
.L_simem_size_0:
called_computation_lowered:
.L_overlay_start_0:
0x88: {  	s2 =	sld [smem:$0x3FD9]  }
0x89: {  	s3 =	sld [smem:$0x3FFE];
	_ =	sdelay $0x1  }
0x8a: {  	s1 =	srdreg.scid  }
0x8b: {  	s0 =	sand.u32 $0x1, s1  }
0x8c: {  	s17 =	sshll.u32 s0, $0xA;
	s2 =	sadd.s32 s3, s2  }
0x8d: {  	s2 =	sadd.s32 s2, s17  }
0x8e: {  	[smem:$0x3FC5] =	sst s2  }
0x8f: {  	_ = 	snop  }
0x90: {  	s2 =	sld [smem:$0x3FD0];
	(tm) =	ssettm $0x1  }
0x91: {  	s18 =	sld [smem:$0x3FFB];
	_ =	sdelay $0x3  }
0x92: {  	_ =	strace s18  }
0x93: {  	s3 =	sld [smem:$0x3FFC];
	_ =	sdelay $0x3  }
0x94: {  	_ =	strace s3  }
0x95: {  	s3 =	sld [smem:$0x3FFD];
	_ =	sdelay $0x3  }
0x96: {  	_ =	strace s3  }
0x97: {  	_ =	strace $0x8FFFFFFF  }
0x98: {  	s19 =	sld [smem:$0x3FDB];
	_ =	sdelay $0x1  }
0x99: {  	s4 =	simm.s32 $_scs_section_size  }
0x9a: {  	s5 =	simm.s32 $_size__tile_overlayer_lowered;
	s6 =	simm.s32 $_tile_overlayer_lowered  }
0x9b: {  	s22 =	simm.s32 $0x1BFF;
	s21 =	sshll.u32 s6, $0x1;
	s3 =	sadd.s32 s4, s19  }
0x9c: {  	s7 =	simm.s32 $0x0;
	s20 =	sshll.u32 s5, $0x1;
	s5 =	sadd.s32 s21, s3  }
0x9d: {  	[timem:s7], [sflag:s22] =	dma.local [hbm:s5], s20  }
0x9e: {  	_ =	swait.ge [sflag:s22], s20  }
0x9f: {  	s4 =	ssub.s32 $0x0, s20;
	[sflag:s22] =	ssyncset.done $0x0  }
0xa0: {  	[sflag:s22] =	ssyncadd.s32 s4;
	_ =	sdelay $0x1  }
0xa1: {  	s23 =	simm.s32 $0x1B8B  }
0xa2: {  	_ =	swait.ge [sflag:s23], $0x1  }
0xa3: {  	[sflag:s23] =	ssyncset.done $0x0  }
0xa4: {  	s25 =	simm.s32 $0x1B8E;
	s24 =	sld [smem:$0x3FFE];
	[sflag:s23] =	ssyncadd.s32 $0xFFFFFFFF  }
0xa5: {  	s26 =	simm.s32 $execute0_lowered;
	[smem:$0x3FD2] =	sst s25  }
0xa6: {  	s5 =	sshll.u32 s26, $0x1;
	_ =	strace $0x80000046;
	[dreg:$0x1] =	wrdreg $0xFFFFFFFF  }
0xa7: {  	s28 =	simm.s32 $_size_execute0_lowered;
	s3 =	sadd.s32 s3, s5;
	[dreg:$0x0] =	wrdreg $0x0  }
0xa8: {  	s5 =	sshll.u32 s28, $0x1;
	[dreg:$0x2] =	wrdreg s3  }
0xa9: {  	[dreg:$0x3] =	wrdreg s5  }
0xaa: {  	[dreg:$0x4] =	wrdreg $0xC0  }
0xab: {  	_ =	task [dreg:s7], $0x5FFFF  }
0xac: {  	[dreg:$0x1] =	wrdreg $0xFFFFFFFF  }
0xad: {  	[dreg:$0x0] =	wrdreg $0x60  }
0xae: {  	[dreg:$0x2] =	wrdreg s24  }
0xaf: {  	[dreg:$0x3] =	wrdreg s2  }
0xb0: {  	[dreg:$0x4] =	wrdreg $0x9  }
0xb1: {  	_ =	task.clear_ibuf [dreg:s7], $0x5FFFF;
	_ =	strace $0x90000046  }
0xb2: {  	s29 =	simm.s32 $0x9;
	_ =	strace $0x80000048  }
0xb3: {  	_ =	swait.ge [sflag:s29], $0x1  }
0xb4: {  	[sflag:s29] =	ssyncadd.s32 $0xFFFFFFFF  }
0xb5: {  	_ =	strace $0x90000048  }
0xb6: {  	_ =	sfence  }
0xb7: {  	s30 =	sld [smem:$0x0];
	_ =	sdelay $0x2  }
0xb8: {  	s31 =	sshll.u32 s1, $0xD;
	s1 =	sshrl.u32 s1, $0x2  }
0xb9: {  	s3 =	sand.u32 $0x4000, s31;
	s1 =	sadd.s32 s1, s30  }
0xba: {  	s0 =	sor.u32 s3, s0;
	s1 =	sshll.u32 s1, $0x11  }
0xbb: {  	s0 =	sor.u32 s1, s0  }
0xbc: {  	s0 =	sadd.s32 $0x8F2B, s0  }
0xbd: {  	[sflag:s0] =	ssyncadd.remote.s32 $0x1  }
0xbe: {  	_ =	sfence.sel $0xFFFF  }
0xbf: {  	[dreg:$0x0] =	wrdreg $0xFFFFFFFF;
	(pc) =	sbr.abs _section_cstart, $3  }
0xc0: {  	[dreg:$0x1] =	wrdreg $0xFFFFFFFF  }
0xc1: {  	_ =	task.clear_ibuf [dreg:s7], $0x2FFFF;
	_ =	strace $0x9FFFFFFF  }
0xc2: {  	(tm) =	ssettm $0x7FFFFFFF  }
0xc3: {  	_ =	shalt  }
tec
execute0_lowered:
.L_overlay_start_1:
0x0: {  	(tag) =	ssettag $0x1  }
0x1: {  	s4 =	rddreg [dreg:$0x0]  }
0x2: {  	s5 =	rddreg [dreg:$0x1]  }
0x3: {  	s0 =	rddreg [dreg:$0x2];
	s3 =	srdreg.scid  }
0x4: {  	s1 =	stileid.u32;
	s2 =	simm.s32 $0x0;
	s11 =	simm.s32 $0x140  }
0x5: {  	s12 =	simm.s32 $0xB900;
	s13 =	simm.s32 $0x1E0;
	s14 =	simm.s32 $0x10900  }
0x6: {  	s15 =	simm.s32 $0x3;
	s16 =	simm.s32 $0x15900;
	s17 =	simm.s32 $0x1A900  }
0x7: {  	s18 =	simm.s32 $0x6;
	s19 =	simm.s32 $0x4;
	s20 =	simm.s32 $0x5  }
0x8: {  	s21 =	simm.s32 $0x2;
	s22 =	simm.s32 $0x1;
	s6 =	sand.u32 $0x1, s3  }
0x9: {  	s29 =	sshll.u32 s1, $0x1;
	[smem:$0x7FF] =	sst s2;
	s9 =	smul.u32 $0x32000, s1  }
0xa: {  	s3 =	sor.u32 s6, s29;
	s8 =	ssub.s32 $0x2, s6;
	s6 =	smul.u32 $0x19000, s6  }
0xb: {  	s23 =	simm.s32 $0x0;
	_ =	strace $0x80000047;
	s7 =	smul.u32 $0x1900, s3  }
.Ltmp0:
0xc: {  	s3 =	sadd.s32 $0x6A00, s4;
	s10 =	sshrl.u32 s8, $0x1;
	(pc) =	sbr.rel .LBB2_1-.Ltmp0, $4  }
0xd: {  	s31 =	sadd.s32 s9, s5;
	s9 =	simm.s32 $0x1900;
	s30 =	ssub.s32 s8, s10  }
0xe: {  	s6 =	sadd.s32 s6, s31;
	s8 =	simm.s32 $0xA0;
	s7 =	sshrl.u32 s7, $0x3  }
0xf: {  	s10 =	simm.s32 $0x6900;
	s5 =	smax.u32 s30, $0x1;
	s4 =	sadd.s32 s7, s4  }
0x10: {  	s6 =	sadd.s32 $0xA00, s6;
	s7 =	simm.s32 $0x7;
	s4 =	sadd.s32 $0x600, s4  }
.LBB2_8:
0x11: {  	_ =	swait.ge [sflag:s18], $0x5000  }
0x12: {  	[sflag:s18] =	ssyncset.done $0x0  }
0x13: {  	[sflag:s18] =	ssyncadd.s32 $0xFFFFB000  }
0x14: {  	_ =	swait.ge [sflag:s18], $0x5000  }
0x15: {  	[sflag:s18] =	ssyncset.done $0x0  }
0x16: {  	[sflag:s18] =	ssyncadd.s32 $0xFFFFB000  }
0x17: {  	_ =	swait.ge [sflag:s19], $0x5000  }
0x18: {  	[sflag:s19] =	ssyncset.done $0x0  }
0x19: {  	[sflag:s19] =	ssyncadd.s32 $0xFFFFB000  }
0x1a: {  	_ =	swait.ge [sflag:s19], $0x5000  }
0x1b: {  	[sflag:s19] =	ssyncset.done $0x0  }
0x1c: {  	s23 =	sadd.s32 $0x1, s23;
	[sflag:s19] =	ssyncadd.s32 $0xFFFFB000  }
0x1d: {  	p0 =	sne.s32 s23, s5;
	_ =	swait.ge [sflag:s20], $0x5000  }
.Ltmp1:
0x1e: {  	[sflag:s20] =	ssyncset.done $0x0;
	(pc) =	sbr.rel @!p0 .LBB2_9-.Ltmp1, $4  }
0x1f: {  	[sflag:s20] =	ssyncadd.s32 $0xFFFFB000  }
0x20: {  	_ =	swait.ge [sflag:s20], $0x5000  }
0x21: {  	[sflag:s20] =	ssyncset.done $0x0  }
0x22: {  	[sflag:s20] =	ssyncadd.s32 $0xFFFFB000  }
.LBB2_1:
0x23: {  	[tilespmem:s2], [sflag:$0x7] =	stream.linear.gather [hbm4b:s4+s2], $0x1900, $0x38;
	[tilespmem:$0x1F900] =	vst v63  }
0x24: {  	_ =	swait.ge [sflag:s7], $0x1900  }
0x25: {  	[sflag:s7] =	ssyncset.done $0x0  }
0x26: {  	[sflag:s7] =	ssyncadd.s32 $0xFFFFE700  }
0x27: {  	[tilespmem:s9], [sflag:$0x1] =	stream.indirect.gather [hbm4b:s3+s8], $0x80, s2, s8, $0xb8;
	[tilespmem:$0x1F900] =	vst v63  }
0x28: {  	_ = 	snop  }
0x29: {  	[tilespmem:s10], [sflag:$0x1] =	stream.indirect.gather [hbm4b:s3+s8], $0x80, s8, s8, $0xb8;
	[tilespmem:$0x1F900] =	vst v63  }
.Ltmp2:
0x2a: {  	_ = 	snop;
	(pc) =	sbr.rel .LBB2_2-.Ltmp2, $4  }
0x2b: {  	_ = 	snop  }
0x2c: {  	[tilespmem:s12], [sflag:$0x2] =	stream.indirect.gather [hbm4b:s3+s8], $0x80, s11, s8, $0xb8;
	[tilespmem:$0x1F900] =	vst v63  }
0x2d: {  	s24 =	smov.u32 s6;
	s25 =	simm.s32 $0x0;
	s26 =	simm.s32 $0x0  }
0x2e: {  	[tilespmem:s14], [sflag:$0x2] =	stream.indirect.gather [hbm4b:s3+s8], $0x80, s13, s8, $0xb8;
	[tilespmem:$0x1F900] =	vst v63  }
.LBB2_6:
0x2f: {  	p0 =	sgt.u32 s26, $0x11  }
0x30: {  	s28 =	simm.s32 @!p0 $0x5  }
0x31: {  	_ =	swait.ge @!p0 [sflag:s28], $0x5000  }
0x32: {  	[sflag:s28] =	ssyncset.done @!p0 $0x0  }
0x33: {  	[sflag:s28] =	ssyncadd.s32 @!p0 $0xFFFFB000  }
0x34: {  	_ =	swait.ge @!p0 [sflag:s28], $0x5000  }
0x35: {  	[sflag:s28] =	ssyncset.done @!p0 $0x0  }
0x36: {  	[sflag:s28] =	ssyncadd.s32 @!p0 $0xFFFFB000;
	s28 =	sshra.s32 @!p0 s25, $0x2  }
0x37: {  	s30 =	simm.s32 @!p0 $0xA0;
	s31 =	simm.s32 @!p0 $0xB900;
	s29 =	sadd.s32 @!p0 $0x280, s28  }
0x38: {  	[tilespmem:s31], [sflag:$0x2] =	stream.indirect.gather @!p0 [hbm4b:s3+s30], $0x80, s29, s30, $0xb8;
	[tilespmem:$0x1F900] =	vst v63  }
0x39: {  	s28 =	sadd.s32 @!p0 $0x320, s28;
	s29 =	simm.s32 @!p0 $0x10900  }
0x3a: {  	[tilespmem:s29], [sflag:$0x2] =	stream.indirect.gather @!p0 [hbm4b:s3+s30], $0x80, s28, s30, $0xb8;
	[tilespmem:$0x1F900] =	vst v63  }
0x3b: {  	_ =	swait.ge [sflag:s15], $0x5000  }
0x3c: {  	[sflag:s15] =	ssyncset.done $0x0  }
0x3d: {  	[sflag:s15] =	ssyncadd.s32 $0xFFFFB000  }
0x3e: {  	_ =	swait.ge [sflag:s15], $0x5000  }
0x3f: {  	[sflag:s15] =	ssyncset.done $0x0  }
0x40: {  	s31 =	sadd.s32 $0xFFFFF600, s24;
	[sflag:s15] =	ssyncadd.s32 $0xFFFFB000  }
0x41: {  	[hbm4b:s31+s2] =	stream.linear.scatter [tilespmem:s16], [sflag:$0x6], $0x5000, $0x38;
	[tilespmem:$0x1F900] =	vst v63  }
0x42: {  	_ = 	snop  }
0x43: {  	[hbm4b:s24+s2] =	stream.linear.scatter [tilespmem:s17], [sflag:$0x6], $0x5000, $0x38;
	[tilespmem:$0x1F900] =	vst v63  }
.LBB2_7:
0x44: {  	s25 =	sadd.s32 $0x500, s25  }
0x45: {  	p0 =	sne.s32 s25, $0x6400  }
.Ltmp3:
0x46: {  	_ = 	snop;
	(pc) =	sbr.rel @!p0 .LBB2_8-.Ltmp3, $2  }
0x47: {  	_ =	sdelay $0x2  }
0x48: {  	s26 =	sadd.s32 $0x1, s26;
	s24 =	sadd.s32 $0x1400, s24  }
.LBB2_2:
0x49: {  	s28 =	smul.u32 $0xAB, s26;
	_ =	sdelay $0x1  }
0x4a: {  	s28 =	sshrl.u32 s28, $0x9  }
0x4b: {  	s28 =	sand.u32 $0x7F, s28  }
0x4c: {  	s28 =	smul.u32 $0x3, s28;
	_ =	sdelay $0x1  }
0x4d: {  	s28 =	ssub.s32 s26, s28  }
0x4e: {  	s28 =	sand.u32 $0xFF, s28  }
0x4f: {  	p0 =	seq.s32 s28, $0x2  }
.Ltmp4:
0x50: {  	_ = 	snop;
	(pc) =	sbr.rel @p0 .LBB2_6-.Ltmp4, $1  }
0x51: {  	_ =	sdelay $0x3  }
0x52: {  	p0 =	seq.s32 s28, $0x1  }
.Ltmp5:
0x53: {  	_ = 	snop;
	(pc) =	sbr.rel @!p0 .LBB2_4-.Ltmp5, $1  }
0x54: {  	_ =	sdelay $0x3  }
0x55: {  	p0 =	sgt.u32 s26, $0x11  }
0x56: {  	s28 =	simm.s32 @!p0 $0x4  }
0x57: {  	_ =	swait.ge @!p0 [sflag:s28], $0x5000  }
0x58: {  	[sflag:s28] =	ssyncset.done @!p0 $0x0  }
0x59: {  	[sflag:s28] =	ssyncadd.s32 @!p0 $0xFFFFB000  }
0x5a: {  	_ =	swait.ge @!p0 [sflag:s28], $0x5000  }
0x5b: {  	[sflag:s28] =	ssyncset.done @!p0 $0x0  }
0x5c: {  	[sflag:s28] =	ssyncadd.s32 @!p0 $0xFFFFB000;
	s28 =	sshra.s32 @!p0 s25, $0x2  }
0x5d: {  	s30 =	simm.s32 @!p0 $0xA0;
	s31 =	simm.s32 @!p0 $0x1900;
	s29 =	sadd.s32 @!p0 $0x280, s28  }
0x5e: {  	[tilespmem:s31], [sflag:$0x1] =	stream.indirect.gather @!p0 [hbm4b:s3+s30], $0x80, s29, s30, $0xb8;
	[tilespmem:$0x1F900] =	vst v63  }
0x5f: {  	s28 =	sadd.s32 @!p0 $0x320, s28;
	s29 =	simm.s32 @!p0 $0x6900  }
0x60: {  	[tilespmem:s29], [sflag:$0x1] =	stream.indirect.gather @!p0 [hbm4b:s3+s30], $0x80, s28, s30, $0xb8;
	[tilespmem:$0x1F900] =	vst v63  }
0x61: {  	_ =	swait.ge [sflag:s21], $0x5000  }
0x62: {  	[sflag:s21] =	ssyncset.done $0x0  }
0x63: {  	[sflag:s21] =	ssyncadd.s32 $0xFFFFB000  }
0x64: {  	_ =	swait.ge [sflag:s21], $0x5000  }
.Ltmp6:
0x65: {  	[sflag:s21] =	ssyncset.done $0x0;
	(pc) =	sbr.rel .LBB2_7-.Ltmp6, $4  }
0x66: {  	s31 =	sadd.s32 $0xFFFFF600, s24;
	[sflag:s21] =	ssyncadd.s32 $0xFFFFB000  }
0x67: {  	[hbm4b:s31+s2] =	stream.linear.scatter [tilespmem:s12], [sflag:$0x5], $0x5000, $0x38;
	[tilespmem:$0x1F900] =	vst v63  }
0x68: {  	_ = 	snop  }
0x69: {  	[hbm4b:s24+s2] =	stream.linear.scatter [tilespmem:s14], [sflag:$0x5], $0x5000, $0x38;
	[tilespmem:$0x1F900] =	vst v63  }
.LBB2_4:
0x6a: {  	p0 =	sgt.u32 s26, $0x11  }
0x6b: {  	p1 =	seq.s32 @!p0 s25, $0x0  }
0x6c: {  	p1 =	por p1, p0  }
0x6d: {  	s28 =	simm.s32 @!p1 $0x6  }
0x6e: {  	_ =	swait.ge @!p1 [sflag:s28], $0x5000  }
0x6f: {  	[sflag:s28] =	ssyncset.done @!p1 $0x0  }
0x70: {  	[sflag:s28] =	ssyncadd.s32 @!p1 $0xFFFFB000  }
0x71: {  	_ =	swait.ge @!p1 [sflag:s28], $0x5000  }
0x72: {  	[sflag:s28] =	ssyncset.done @!p1 $0x0  }
0x73: {  	[sflag:s28] =	ssyncadd.s32 @!p1 $0xFFFFB000;
	s28 =	sshra.s32 @!p0 s25, $0x2  }
0x74: {  	s30 =	simm.s32 @!p0 $0xA0;
	s31 =	simm.s32 @!p0 $0x15900;
	s29 =	sadd.s32 @!p0 $0x280, s28  }
0x75: {  	[tilespmem:s31], [sflag:$0x3] =	stream.indirect.gather @!p0 [hbm4b:s3+s30], $0x80, s29, s30, $0xb8;
	[tilespmem:$0x1F900] =	vst v63  }
0x76: {  	s28 =	sadd.s32 @!p0 $0x320, s28;
	s29 =	simm.s32 @!p0 $0x1A900  }
0x77: {  	[tilespmem:s29], [sflag:$0x3] =	stream.indirect.gather @!p0 [hbm4b:s3+s30], $0x80, s28, s30, $0xb8;
	[tilespmem:$0x1F900] =	vst v63  }
0x78: {  	_ =	swait.ge [sflag:s22], $0x5000  }
0x79: {  	[sflag:s22] =	ssyncset.done $0x0  }
0x7a: {  	[sflag:s22] =	ssyncadd.s32 $0xFFFFB000  }
0x7b: {  	_ =	swait.ge [sflag:s22], $0x5000  }
.Ltmp7:
0x7c: {  	[sflag:s22] =	ssyncset.done $0x0;
	(pc) =	sbr.rel .LBB2_7-.Ltmp7, $4  }
0x7d: {  	s31 =	sadd.s32 $0xFFFFF600, s24;
	[sflag:s22] =	ssyncadd.s32 $0xFFFFB000  }
0x7e: {  	[hbm4b:s31+s2] =	stream.linear.scatter [tilespmem:s9], [sflag:$0x4], $0x5000, $0x38;
	[tilespmem:$0x1F900] =	vst v63  }
0x7f: {  	_ = 	snop  }
0x80: {  	[hbm4b:s24+s2] =	stream.linear.scatter [tilespmem:s10], [sflag:$0x4], $0x5000, $0x38;
	[tilespmem:$0x1F900] =	vst v63  }
.LBB2_9:
0x81: {  	_ =	sfence.sel $0x180000  }
0x82: {  	[bflag:$0x0] =	sbarrier.arrive $0xFFFF  }
0x83: {  	p0 =	sne.s32 s1, $0x0;
	_ =	strace $0x90000047  }
0x84: {  	s0 =	sadd.s32 @!p0 $0x100000, s0;
	[bflag:$0x2] =	sbarrier.arrive $0xFFFF  }
0x85: {  	[sflag:s0] =	ssyncadd.tile.s32 @!p0 $0x1;
	_ =	shalt  }
.Lfunc_end2:
_tile_overlayer_lowered:
.L_overlay_start_2:
0x86: {  	(tag) =	ssettag $0x2  }
0x87: {  	s0 =	rddreg [dreg:$0x0];
	s2 =	stileid.u32  }
0x88: {  	s1 =	rddreg [dreg:$0x1];
	p0 =	sne.s32 s2, $0x0  }
0x89: {  	s3 =	rddreg [dreg:$0x2];
	[bflag:$0x3] =	sbarrier.arrive $0xFFFF;
	s2 =	simm.s32 @!p0 $0x1C07  }
0x8a: {  	[timem:s3], [sflag:s2] =	dma.local @!p0 [hbm:s0], s1  }
0x8b: {  	s0 =	simm.s32 @!p0 $0x7  }
0x8c: {  	_ =	swait.ge @!p0 [sflag:s0], s1  }
0x8d: {  	s1 =	ssub.s32 @!p0 $0x0, s1;
	[sflag:s0] =	ssyncset.done @!p0 $0x0  }
0x8e: {  	[sflag:s0] =	ssyncadd.s32 @!p0 s1  }
0x8f: {  	[bflag:$0x3] =	sbarrier.arrive $0xFFFF  }
0x90: {  	_ =	shalt  }

</sc_bundles>
